<compile_context>
chip_gen: v7x
topology: tpu7x:2x2x1
jax: 0.10.2.dev20260603
libtpu: 0.0.44.dev20260713+nightly
codegen_flags: <defaults>
</compile_context>

<pallas_src>
import functools

import jax
import jax.numpy as jnp
from jax import lax
from jax.experimental import pallas as pl
from jax.experimental.pallas import tpu as pltpu
from jax.experimental.pallas import tpu_sc as plsc

B, C, H, W = 8, 96, 224, 224
NW = 32
ROWS = B * H
RPW = ROWS // NW


def _sc_body(f_hbm, bits_hbm, out_hbm, in_buf, out_buf, bits_buf):
    wid = lax.axis_index("s") * 2 + lax.axis_index("c")
    base = wid * RPW

    def row_body(g, _):
        r = base + g
        b = r // H
        h = r % H
        pltpu.sync_copy(f_hbm.at[b, :, h, :], in_buf)
        pltpu.sync_copy(bits_hbm.at[b, h, :], bits_buf)
        for j in range(W // 16):
            sl = pl.ds(j * 16, 16)

            def red_body(k, carry):
                mn, mx = carry
                v = in_buf[k, sl]
                return jnp.minimum(mn, v), jnp.maximum(mx, v)

            v0 = in_buf[0, sl]
            mn, mx = lax.fori_loop(1, C, red_body, (v0, v0))
            bits16 = jnp.clip(bits_buf[sl], 1, 8)
            lm1 = (jnp.int32(1) << bits16).astype(jnp.float32) - 1.0
            rng = mx - mn
            valid = rng > 1e-8
            su = jnp.where(valid, lm1 / jnp.where(valid, rng, 1.0), 0.0)
            sd = rng / lm1

            def ew_body(k, carry):
                v = in_buf[k, sl]
                t = (v - mn) * su + 0.5
                q = t.astype(jnp.int32).astype(jnp.float32)
                out_buf[k, sl] = q * sd + mn
                return carry

            lax.fori_loop(0, C, ew_body, 0)
        pltpu.sync_copy(out_buf, out_hbm.at[b, :, h, :])
        return _

    lax.fori_loop(0, RPW, row_body, 0)


@jax.jit
def _run_sc(features, bits_i32):
    k = functools.partial(
        pl.kernel,
        out_type=jax.ShapeDtypeStruct((B, C, H, W), jnp.float32),
        mesh=plsc.VectorSubcoreMesh(core_axis_name="c", subcore_axis_name="s"),
        scratch_types=[
            pltpu.VMEM((C, W), jnp.float32),
            pltpu.VMEM((C, W), jnp.float32),
            pltpu.VMEM((W,), jnp.int32),
        ],
    )(_sc_body)
    return k(features, bits_i32)


def kernel(features, bit_allocation):
    return _run_sc(features, bit_allocation.astype(jnp.int32))

# --- scband reference (transcript-rebuilt; emitter-appended) ---
"""Pipeline reference for scband-adaptive-quantizer-57767310131509 (READ-ONLY COPY).

The authoritative reference and input builder live on the scoring server;
editing this copy changes nothing except your own understanding.
"""

import jax, jax.numpy as jnp
import numpy as np

def setup_inputs(seed: int = 0) -> dict:
    key = jax.random.key(seed)
    k1, k2 = jax.random.split(key)
    features = jax.random.normal(k1, (8, 96, 224, 224), dtype=jnp.float32)
    bit_allocation = jax.random.randint(k2, (8, 224, 224), 0, 9, dtype=jnp.int64)
    return {"features": features, "bit_allocation": bit_allocation}

def reference(features, bit_allocation):
    # bits clamped to [1, 8]
    bits = jnp.clip(bit_allocation, 1, 8)  # [B, H, W]
    levels = (2 ** bits).astype(features.dtype)  # [B, H, W]
    lm1 = (levels - 1.0)[:, None, :, :]  # [B, 1, H, W] broadcast over channels
    # per-(b, i, j) min/max over channel dim
    f_min = jnp.min(features, axis=1, keepdims=True)  # [B, 1, H, W]
    f_max = jnp.max(features, axis=1, keepdims=True)  # [B, 1, H, W]
    rng = f_max - f_min
    valid = jnp.abs(rng) > 1e-08  # [B, 1, H, W]
    denom = jnp.where(valid, rng, 1.0)
    f_norm = (features - f_min) / denom
    f_norm = jnp.clip(f_norm, 0.0, 1.0)
    f_quant = jnp.round(f_norm * lm1) / lm1
    f_dequant = f_quant * rng + f_min
    out = jnp.where(valid, f_dequant, features)
    out = jnp.nan_to_num(out, nan=0.0, posinf=1.0, neginf=-1.0)
    return out

if __name__ == "__main__":
    import jax
    _d = setup_inputs()
    print(jax.jit(kernel)(*tuple(_d.values())))

</pallas_src>

<mosaic_0001>
#map = affine_map<(d0, d1) -> (0, 0, 0, 0)>
#map1 = affine_map<(d0, d1) -> (0, 0, 0)>
module attributes {stable_mosaic.version = 14 : i64} {
  func.func @_sc_body(%arg0: i32, %arg1: i32, %arg2: memref<8x96x224x224xf32, #tpu.memory_space<hbm>>, %arg3: memref<8x224x224xi32, #tpu.memory_space<hbm>>, %arg4: memref<8x96x224x224xf32, #tpu.memory_space<hbm>>, %arg5: memref<96x224xf32, #tpu.memory_space<vmem>>, %arg6: memref<96x224xf32, #tpu.memory_space<vmem>>, %arg7: memref<224xi32, #tpu.memory_space<vmem>>) attributes {dimension_semantics = [#tpu.dimension_semantics<core_parallel>, #tpu.dimension_semantics<subcore_parallel>], iteration_bounds = array<i64: 2, 16>, scalar_prefetch = 0 : i64, scratch_operands = 3 : i64, tpu.core_type = #tpu.core_type<sc_vector_subcore>, window_params = [{transform_indices = #map}, {transform_indices = #map1}, {transform_indices = #map}]} {
    %mul3A = arith.constant 2 : i32
    %mul3A_0 = arith.muli %arg1, %mul3A : i32
    %add3A = arith.addi %mul3A_0, %arg0 : i32
    %mul3A_1 = arith.constant 56 : i32
    %mul3A_2 = arith.muli %add3A, %mul3A_1 : i32
    %scan3A = arith.constant 0 : i32
    %scan3A_3 = arith.constant 0 : i32
    %scan3A_4 = arith.constant 56 : i32
    %scan3A_5 = arith.addi %scan3A_3, %scan3A_4 : i32
    %scan3A_6 = arith.constant 1 : i32
    scf.for %scan3A_8 = %scan3A_3 to %scan3A_5 step %scan3A_6  : i32 {
      %add3A_9 = arith.addi %mul3A_2, %scan3A_8 : i32
      %jit3A = arith.constant 224 : i32
      %div3A = arith.divsi %add3A_9, %jit3A : i32
      %sign3A = arith.constant 0 : i32
      %sign3A_10 = arith.cmpi sgt, %add3A_9, %sign3A : i32
      %sign3A_11 = arith.extui %sign3A_10 : i1 to i32
      %sign3A_12 = arith.constant 0 : i32
      %sign3A_13 = arith.cmpi slt, %add3A_9, %sign3A_12 : i32
      %sign3A_14 = arith.extui %sign3A_13 : i1 to i32
      %sign3A_15 = arith.subi %sign3A_11, %sign3A_14 : i32
      %sign3A_16 = arith.constant 0 : i32
      %sign3A_17 = arith.cmpi sgt, %jit3A, %sign3A_16 : i32
      %sign3A_18 = arith.extui %sign3A_17 : i1 to i32
      %sign3A_19 = arith.constant 0 : i32
      %sign3A_20 = arith.cmpi slt, %jit3A, %sign3A_19 : i32
      %sign3A_21 = arith.extui %sign3A_20 : i1 to i32
      %sign3A_22 = arith.subi %sign3A_18, %sign3A_21 : i32
      %ne3A = arith.cmpi ne, %sign3A_15, %sign3A_22 : i32
      %rem3A = arith.remsi %add3A_9, %jit3A : i32
      %ne3A_23 = arith.constant 0 : i32
      %ne3A_24 = arith.cmpi ne, %rem3A, %ne3A_23 : i32
      %and3A = arith.andi %ne3A, %ne3A_24 : i1
      %sub3A = arith.constant 1 : i32
      %sub3A_25 = arith.subi %div3A, %sub3A : i32
      %select_n3A = arith.select %and3A, %sub3A_25, %div3A : i32
      %jit3A_26 = arith.constant 224 : i32
      %eq3A = arith.constant 0 : i32
      %eq3A_27 = arith.cmpi eq, %jit3A_26, %eq3A : i32
      %jit3A_28 = arith.constant 1 : i32
      %select_n3A_29 = arith.select %eq3A_27, %jit3A_28, %jit3A_26 : i32
      %rem3A_30 = arith.remsi %add3A_9, %select_n3A_29 : i32
      %ne3A_31 = arith.constant 0 : i32
      %ne3A_32 = arith.cmpi ne, %rem3A_30, %ne3A_31 : i32
      %lt3A = arith.constant 0 : i32
      %lt3A_33 = arith.cmpi slt, %rem3A_30, %lt3A : i32
      %lt3A_34 = arith.constant 0 : i32
      %lt3A_35 = arith.cmpi slt, %select_n3A_29, %lt3A_34 : i32
      %ne3A_36 = arith.xori %lt3A_33, %lt3A_35 : i1
      %and3A_37 = arith.andi %ne3A_36, %ne3A_32 : i1
      %add3A_38 = arith.addi %rem3A_30, %select_n3A_29 : i32
      %select_n3A_39 = arith.select %and3A_37, %add3A_38, %rem3A_30 : i32
      "tpu.region"() ({
        %run_scoped3A = tpu.sem_alloc : memref<!tpu.dma_semaphore, #tpu.memory_space<semaphore_mem>>
        %dma_start3A = arith.constant 0 : i32
        %dma_start3A_663 = arith.constant 0 : i32
        %dma_start3A_664 = tpu.memref_slice %arg2[%select_n3A, %dma_start3A, %select_n3A_39, %dma_start3A_663] : memref<8x96x224x224xf32, #tpu.memory_space<hbm>> -> memref<1x96x1x224xf32, #tpu.memory_space<hbm>>
        %dma_start3A_665 = tpu.memref_squeeze %dma_start3A_664 : memref<1x96x1x224xf32, #tpu.memory_space<hbm>> -> memref<96x224xf32, #tpu.memory_space<hbm>>
        %dma_start3A_666 = arith.constant 0 : i32
        %dma_start3A_667 = arith.constant 0 : i32
        %dma_start3A_668 = tpu.memref_slice %arg2[%select_n3A, %dma_start3A_666, %select_n3A_39, %dma_start3A_667] : memref<8x96x224x224xf32, #tpu.memory_space<hbm>> -> memref<1x96x1x224xf32, #tpu.memory_space<hbm>>
        %dma_start3A_669 = tpu.memref_squeeze %dma_start3A_668 : memref<1x96x1x224xf32, #tpu.memory_space<hbm>> -> memref<96x224xf32, #tpu.memory_space<hbm>>
        tpu.enqueue_dma source(%dma_start3A_669 : memref<96x224xf32, #tpu.memory_space<hbm>>) target(%arg5 : memref<96x224xf32, #tpu.memory_space<vmem>>) target_semaphore(%run_scoped3A : memref<!tpu.dma_semaphore, #tpu.memory_space<semaphore_mem>>)
        %dma_wait3A = arith.constant 0 : i32
        %dma_wait3A_670 = arith.constant 0 : i32
        %dma_wait3A_671 = tpu.memref_slice %arg2[%select_n3A, %dma_wait3A, %select_n3A_39, %dma_wait3A_670] : memref<8x96x224x224xf32, #tpu.memory_space<hbm>> -> memref<1x96x1x224xf32, #tpu.memory_space<hbm>>
        %dma_wait3A_672 = tpu.memref_squeeze %dma_wait3A_671 : memref<1x96x1x224xf32, #tpu.memory_space<hbm>> -> memref<96x224xf32, #tpu.memory_space<hbm>>
        %dma_wait3A_673 = arith.constant 0 : i32
        %dma_wait3A_674 = arith.constant 0 : i32
        %dma_wait3A_675 = tpu.memref_slice %arg2[%select_n3A, %dma_wait3A_673, %select_n3A_39, %dma_wait3A_674] : memref<8x96x224x224xf32, #tpu.memory_space<hbm>> -> memref<1x96x1x224xf32, #tpu.memory_space<hbm>>
        %dma_wait3A_676 = tpu.memref_squeeze %dma_wait3A_675 : memref<1x96x1x224xf32, #tpu.memory_space<hbm>> -> memref<96x224xf32, #tpu.memory_space<hbm>>
        tpu.wait_dma2 semaphore(%run_scoped3A : memref<!tpu.dma_semaphore, #tpu.memory_space<semaphore_mem>>) src(%dma_wait3A_676 : memref<96x224xf32, #tpu.memory_space<hbm>>) dst(%arg5 : memref<96x224xf32, #tpu.memory_space<vmem>>)
        tpu.yield
      }) : () -> ()
      "tpu.region"() ({
        %run_scoped3A = tpu.sem_alloc : memref<!tpu.dma_semaphore, #tpu.memory_space<semaphore_mem>>
        %dma_start3A = arith.constant 0 : i32
        %dma_start3A_663 = tpu.memref_slice %arg3[%select_n3A, %select_n3A_39, %dma_start3A] : memref<8x224x224xi32, #tpu.memory_space<hbm>> -> memref<1x1x224xi32, #tpu.memory_space<hbm>>
        %dma_start3A_664 = tpu.memref_squeeze %dma_start3A_663 : memref<1x1x224xi32, #tpu.memory_space<hbm>> -> memref<224xi32, #tpu.memory_space<hbm>>
        %dma_start3A_665 = arith.constant 0 : i32
        %dma_start3A_666 = tpu.memref_slice %arg3[%select_n3A, %select_n3A_39, %dma_start3A_665] : memref<8x224x224xi32, #tpu.memory_space<hbm>> -> memref<1x1x224xi32, #tpu.memory_space<hbm>>
        %dma_start3A_667 = tpu.memref_squeeze %dma_start3A_666 : memref<1x1x224xi32, #tpu.memory_space<hbm>> -> memref<224xi32, #tpu.memory_space<hbm>>
        tpu.enqueue_dma source(%dma_start3A_667 : memref<224xi32, #tpu.memory_space<hbm>>) target(%arg7 : memref<224xi32, #tpu.memory_space<vmem>>) target_semaphore(%run_scoped3A : memref<!tpu.dma_semaphore, #tpu.memory_space<semaphore_mem>>)
        %dma_wait3A = arith.constant 0 : i32
        %dma_wait3A_668 = tpu.memref_slice %arg3[%select_n3A, %select_n3A_39, %dma_wait3A] : memref<8x224x224xi32, #tpu.memory_space<hbm>> -> memref<1x1x224xi32, #tpu.memory_space<hbm>>
        %dma_wait3A_669 = tpu.memref_squeeze %dma_wait3A_668 : memref<1x1x224xi32, #tpu.memory_space<hbm>> -> memref<224xi32, #tpu.memory_space<hbm>>
        %dma_wait3A_670 = arith.constant 0 : i32
        %dma_wait3A_671 = tpu.memref_slice %arg3[%select_n3A, %select_n3A_39, %dma_wait3A_670] : memref<8x224x224xi32, #tpu.memory_space<hbm>> -> memref<1x1x224xi32, #tpu.memory_space<hbm>>
        %dma_wait3A_672 = tpu.memref_squeeze %dma_wait3A_671 : memref<1x1x224xi32, #tpu.memory_space<hbm>> -> memref<224xi32, #tpu.memory_space<hbm>>
        tpu.wait_dma2 semaphore(%run_scoped3A : memref<!tpu.dma_semaphore, #tpu.memory_space<semaphore_mem>>) src(%dma_wait3A_672 : memref<224xi32, #tpu.memory_space<hbm>>) dst(%arg7 : memref<224xi32, #tpu.memory_space<vmem>>)
        tpu.yield
      }) : () -> ()
      %get3A = arith.constant 0 : i32
      %get3A_40 = arith.index_cast %get3A : i32 to index
      %get3A_41 = arith.constant 0 : index
      %get3A_42 = tpu.vector_load %arg5[%get3A_40, %get3A_41] {strides = array<i32>} : memref<96x224xf32, #tpu.memory_space<vmem>>, vector<1x16xf32>,
      %get3A_43 = vector.shape_cast %get3A_42 : vector<1x16xf32> to vector<16xf32>
      %scan3A_44 = arith.constant 1 : i32
      %scan3A_45 = arith.constant 95 : i32
      %scan3A_46 = arith.addi %scan3A_44, %scan3A_45 : i32
      %scan3A_47 = arith.constant 1 : i32
      %scan3A_48:2 = scf.for %scan3A_663 = %scan3A_44 to %scan3A_46 step %scan3A_47 iter_args(%scan3A_664 = %get3A_43, %scan3A_665 = %get3A_43) -> (vector<16xf32>, vector<16xf32>)  : i32 {
        %get3A_666 = arith.index_cast %scan3A_663 : i32 to index
        %get3A_667 = arith.constant 0 : index
        %get3A_668 = tpu.vector_load %arg5[%get3A_666, %get3A_667] {strides = array<i32>} : memref<96x224xf32, #tpu.memory_space<vmem>>, vector<1x16xf32>,
        %get3A_669 = vector.shape_cast %get3A_668 : vector<1x16xf32> to vector<16xf32>
        %min3A_670 = arith.minimumf %scan3A_664, %get3A_669 : vector<16xf32>
        %max3A_671 = arith.maximumf %scan3A_665, %get3A_669 : vector<16xf32>
        scf.yield %min3A_670, %max3A_671 : vector<16xf32>, vector<16xf32>
      }
      %scan3A_49 = arith.constant 95 : i32
      %get3A_50 = arith.constant 0 : index
      %get3A_51 = tpu.vector_load %arg7[%get3A_50] {strides = array<i32>} : memref<224xi32, #tpu.memory_space<vmem>>, vector<16xi32>,
      %get3A_52 = vector.shape_cast %get3A_51 : vector<16xi32> to vector<16xi32>
      %jit3A_53 = arith.constant 1 : i32
      %jit3A_54 = arith.constant 8 : i32
      %max3A = vector.broadcast %jit3A_53 : i32 to vector<16xi32>
      %max3A_55 = arith.maxsi %max3A, %get3A_52 : vector<16xi32>
      %min3A = vector.broadcast %jit3A_54 : i32 to vector<16xi32>
      %min3A_56 = arith.minsi %min3A, %max3A_55 : vector<16xi32>
      %shift_left3A = arith.constant 1 : i32
      %shift_left3A_57 = vector.broadcast %shift_left3A : i32 to vector<16xi32>
      %shift_left3A_58 = arith.shli %shift_left3A_57, %min3A_56 : vector<16xi32>
      %convert_element_type3A = arith.sitofp %shift_left3A_58 : vector<16xi32> to vector<16xf32>
      %sub3A_59 = arith.constant 1.000000e+00 : f32
      %sub3A_60 = vector.broadcast %sub3A_59 : f32 to vector<16xf32>
      %sub3A_61 = arith.subf %convert_element_type3A, %sub3A_60 : vector<16xf32>
      %sub3A_62 = arith.subf %scan3A_48#1, %scan3A_48#0 : vector<16xf32>
      %gt3A = arith.constant 9.99999993E-9 : f32
      %gt3A_63 = vector.broadcast %gt3A : f32 to vector<16xf32>
      %gt3A_64 = arith.cmpf ogt, %sub3A_62, %gt3A_63 : vector<16xf32>
      %jit3A_65 = arith.constant 1.000000e+00 : f32
      %broadcast_in_dim3A = vector.broadcast %jit3A_65 : f32 to vector<16xf32>
      %select_n3A_66 = arith.select %gt3A_64, %sub3A_62, %broadcast_in_dim3A : vector<16xi1>, vector<16xf32>
      %div3A_67 = arith.divf %sub3A_61, %select_n3A_66 : vector<16xf32>
      %jit3A_68 = arith.constant 0.000000e+00 : f32
      %broadcast_in_dim3A_69 = vector.broadcast %jit3A_68 : f32 to vector<16xf32>
      %select_n3A_70 = arith.select %gt3A_64, %div3A_67, %broadcast_in_dim3A_69 : vector<16xi1>, vector<16xf32>
      %div3A_71 = arith.divf %sub3A_62, %sub3A_61 : vector<16xf32>
      %scan3A_72 = arith.constant 0 : i32
      %scan3A_73 = arith.constant 0 : i32
      %scan3A_74 = arith.constant 96 : i32
      %scan3A_75 = arith.addi %scan3A_73, %scan3A_74 : i32
      %scan3A_76 = arith.constant 1 : i32
      scf.for %scan3A_663 = %scan3A_73 to %scan3A_75 step %scan3A_76  : i32 {
        %get3A_664 = arith.index_cast %scan3A_663 : i32 to index
        %get3A_665 = arith.constant 0 : index
        %get3A_666 = tpu.vector_load %arg5[%get3A_664, %get3A_665] {strides = array<i32>} : memref<96x224xf32, #tpu.memory_space<vmem>>, vector<1x16xf32>,
        %get3A_667 = vector.shape_cast %get3A_666 : vector<1x16xf32> to vector<16xf32>
        %sub3A_668 = arith.subf %get3A_667, %scan3A_48#0 : vector<16xf32>
        %mul3A_669 = arith.mulf %sub3A_668, %select_n3A_70 : vector<16xf32>
        %add3A_670 = arith.constant 5.000000e-01 : f32
        %add3A_671 = vector.broadcast %add3A_670 : f32 to vector<16xf32>
        %add3A_672 = arith.addf %mul3A_669, %add3A_671 : vector<16xf32>
        %convert_element_type3A_673 = arith.fptosi %add3A_672 : vector<16xf32> to vector<16xi32>
        %convert_element_type3A_674 = arith.sitofp %convert_element_type3A_673 : vector<16xi32> to vector<16xf32>
        %mul3A_675 = arith.mulf %convert_element_type3A_674, %div3A_71 : vector<16xf32>
        %add3A_676 = arith.addf %mul3A_675, %scan3A_48#0 : vector<16xf32>
        %swap3A = arith.index_cast %scan3A_663 : i32 to index
        %swap3A_677 = arith.constant 0 : index
        %swap3A_678 = tpu.vector_load %arg6[%swap3A, %swap3A_677] {strides = array<i32>} : memref<96x224xf32, #tpu.memory_space<vmem>>, vector<1x16xf32>,
        %swap3A_679 = vector.shape_cast %swap3A_678 : vector<1x16xf32> to vector<16xf32>
        %swap3A_680 = vector.shape_cast %add3A_676 : vector<16xf32> to vector<1x16xf32>
        tpu.vector_store %arg6[%swap3A, %swap3A_677], %swap3A_680 {strides = array<i32>} : memref<96x224xf32, #tpu.memory_space<vmem>>, vector<1x16xf32>,
      }
      %scan3A_77 = arith.constant 96 : i32
      %get3A_78 = arith.constant 0 : i32
      %get3A_79 = arith.index_cast %get3A_78 : i32 to index
      %get3A_80 = arith.constant 16 : index
      %get3A_81 = tpu.vector_load %arg5[%get3A_79, %get3A_80] {strides = array<i32>} : memref<96x224xf32, #tpu.memory_space<vmem>>, vector<1x16xf32>,
      %get3A_82 = vector.shape_cast %get3A_81 : vector<1x16xf32> to vector<16xf32>
      %scan3A_83 = arith.constant 1 : i32
      %scan3A_84 = arith.constant 95 : i32
      %scan3A_85 = arith.addi %scan3A_83, %scan3A_84 : i32
      %scan3A_86 = arith.constant 1 : i32
      %scan3A_87:2 = scf.for %scan3A_663 = %scan3A_83 to %scan3A_85 step %scan3A_86 iter_args(%scan3A_664 = %get3A_82, %scan3A_665 = %get3A_82) -> (vector<16xf32>, vector<16xf32>)  : i32 {
        %get3A_666 = arith.index_cast %scan3A_663 : i32 to index
        %get3A_667 = arith.constant 16 : index
        %get3A_668 = tpu.vector_load %arg5[%get3A_666, %get3A_667] {strides = array<i32>} : memref<96x224xf32, #tpu.memory_space<vmem>>, vector<1x16xf32>,
        %get3A_669 = vector.shape_cast %get3A_668 : vector<1x16xf32> to vector<16xf32>
        %min3A_670 = arith.minimumf %scan3A_664, %get3A_669 : vector<16xf32>
        %max3A_671 = arith.maximumf %scan3A_665, %get3A_669 : vector<16xf32>
        scf.yield %min3A_670, %max3A_671 : vector<16xf32>, vector<16xf32>
      }
      %scan3A_88 = arith.constant 95 : i32
      %get3A_89 = arith.constant 16 : index
      %get3A_90 = tpu.vector_load %arg7[%get3A_89] {strides = array<i32>} : memref<224xi32, #tpu.memory_space<vmem>>, vector<16xi32>,
      %get3A_91 = vector.shape_cast %get3A_90 : vector<16xi32> to vector<16xi32>
      %jit3A_92 = arith.constant 1 : i32
      %jit3A_93 = arith.constant 8 : i32
      %max3A_94 = vector.broadcast %jit3A_92 : i32 to vector<16xi32>
      %max3A_95 = arith.maxsi %max3A_94, %get3A_91 : vector<16xi32>
      %min3A_96 = vector.broadcast %jit3A_93 : i32 to vector<16xi32>
      %min3A_97 = arith.minsi %min3A_96, %max3A_95 : vector<16xi32>
      %shift_left3A_98 = arith.constant 1 : i32
      %shift_left3A_99 = vector.broadcast %shift_left3A_98 : i32 to vector<16xi32>
      %shift_left3A_100 = arith.shli %shift_left3A_99, %min3A_97 : vector<16xi32>
      %convert_element_type3A_101 = arith.sitofp %shift_left3A_100 : vector<16xi32> to vector<16xf32>
      %sub3A_102 = arith.constant 1.000000e+00 : f32
      %sub3A_103 = vector.broadcast %sub3A_102 : f32 to vector<16xf32>
      %sub3A_104 = arith.subf %convert_element_type3A_101, %sub3A_103 : vector<16xf32>
      %sub3A_105 = arith.subf %scan3A_87#1, %scan3A_87#0 : vector<16xf32>
      %gt3A_106 = arith.constant 9.99999993E-9 : f32
      %gt3A_107 = vector.broadcast %gt3A_106 : f32 to vector<16xf32>
      %gt3A_108 = arith.cmpf ogt, %sub3A_105, %gt3A_107 : vector<16xf32>
      %jit3A_109 = arith.constant 1.000000e+00 : f32
      %broadcast_in_dim3A_110 = vector.broadcast %jit3A_109 : f32 to vector<16xf32>
      %select_n3A_111 = arith.select %gt3A_108, %sub3A_105, %broadcast_in_dim3A_110 : vector<16xi1>, vector<16xf32>
      %div3A_112 = arith.divf %sub3A_104, %select_n3A_111 : vector<16xf32>
      %jit3A_113 = arith.constant 0.000000e+00 : f32
      %broadcast_in_dim3A_114 = vector.broadcast %jit3A_113 : f32 to vector<16xf32>
      %select_n3A_115 = arith.select %gt3A_108, %div3A_112, %broadcast_in_dim3A_114 : vector<16xi1>, vector<16xf32>
      %div3A_116 = arith.divf %sub3A_105, %sub3A_104 : vector<16xf32>
      %scan3A_117 = arith.constant 0 : i32
      %scan3A_118 = arith.constant 0 : i32
      %scan3A_119 = arith.constant 96 : i32
      %scan3A_120 = arith.addi %scan3A_118, %scan3A_119 : i32
      %scan3A_121 = arith.constant 1 : i32
      scf.for %scan3A_663 = %scan3A_118 to %scan3A_120 step %scan3A_121  : i32 {
        %get3A_664 = arith.index_cast %scan3A_663 : i32 to index
        %get3A_665 = arith.constant 16 : index
        %get3A_666 = tpu.vector_load %arg5[%get3A_664, %get3A_665] {strides = array<i32>} : memref<96x224xf32, #tpu.memory_space<vmem>>, vector<1x16xf32>,
        %get3A_667 = vector.shape_cast %get3A_666 : vector<1x16xf32> to vector<16xf32>
        %sub3A_668 = arith.subf %get3A_667, %scan3A_87#0 : vector<16xf32>
        %mul3A_669 = arith.mulf %sub3A_668, %select_n3A_115 : vector<16xf32>
        %add3A_670 = arith.constant 5.000000e-01 : f32
        %add3A_671 = vector.broadcast %add3A_670 : f32 to vector<16xf32>
        %add3A_672 = arith.addf %mul3A_669, %add3A_671 : vector<16xf32>
        %convert_element_type3A_673 = arith.fptosi %add3A_672 : vector<16xf32> to vector<16xi32>
        %convert_element_type3A_674 = arith.sitofp %convert_element_type3A_673 : vector<16xi32> to vector<16xf32>
        %mul3A_675 = arith.mulf %convert_element_type3A_674, %div3A_116 : vector<16xf32>
        %add3A_676 = arith.addf %mul3A_675, %scan3A_87#0 : vector<16xf32>
        %swap3A = arith.index_cast %scan3A_663 : i32 to index
        %swap3A_677 = arith.constant 16 : index
        %swap3A_678 = tpu.vector_load %arg6[%swap3A, %swap3A_677] {strides = array<i32>} : memref<96x224xf32, #tpu.memory_space<vmem>>, vector<1x16xf32>,
        %swap3A_679 = vector.shape_cast %swap3A_678 : vector<1x16xf32> to vector<16xf32>
        %swap3A_680 = vector.shape_cast %add3A_676 : vector<16xf32> to vector<1x16xf32>
        tpu.vector_store %arg6[%swap3A, %swap3A_677], %swap3A_680 {strides = array<i32>} : memref<96x224xf32, #tpu.memory_space<vmem>>, vector<1x16xf32>,
      }
      %scan3A_122 = arith.constant 96 : i32
      %get3A_123 = arith.constant 0 : i32
      %get3A_124 = arith.index_cast %get3A_123 : i32 to index
      %get3A_125 = arith.constant 32 : index
      %get3A_126 = tpu.vector_load %arg5[%get3A_124, %get3A_125] {strides = array<i32>} : memref<96x224xf32, #tpu.memory_space<vmem>>, vector<1x16xf32>,
      %get3A_127 = vector.shape_cast %get3A_126 : vector<1x16xf32> to vector<16xf32>
      %scan3A_128 = arith.constant 1 : i32
      %scan3A_129 = arith.constant 95 : i32
      %scan3A_130 = arith.addi %scan3A_128, %scan3A_129 : i32
      %scan3A_131 = arith.constant 1 : i32
      %scan3A_132:2 = scf.for %scan3A_663 = %scan3A_128 to %scan3A_130 step %scan3A_131 iter_args(%scan3A_664 = %get3A_127, %scan3A_665 = %get3A_127) -> (vector<16xf32>, vector<16xf32>)  : i32 {
        %get3A_666 = arith.index_cast %scan3A_663 : i32 to index
        %get3A_667 = arith.constant 32 : index
        %get3A_668 = tpu.vector_load %arg5[%get3A_666, %get3A_667] {strides = array<i32>} : memref<96x224xf32, #tpu.memory_space<vmem>>, vector<1x16xf32>,
        %get3A_669 = vector.shape_cast %get3A_668 : vector<1x16xf32> to vector<16xf32>
        %min3A_670 = arith.minimumf %scan3A_664, %get3A_669 : vector<16xf32>
        %max3A_671 = arith.maximumf %scan3A_665, %get3A_669 : vector<16xf32>
        scf.yield %min3A_670, %max3A_671 : vector<16xf32>, vector<16xf32>
      }
      %scan3A_133 = arith.constant 95 : i32
      %get3A_134 = arith.constant 32 : index
      %get3A_135 = tpu.vector_load %arg7[%get3A_134] {strides = array<i32>} : memref<224xi32, #tpu.memory_space<vmem>>, vector<16xi32>,
      %get3A_136 = vector.shape_cast %get3A_135 : vector<16xi32> to vector<16xi32>
      %jit3A_137 = arith.constant 1 : i32
      %jit3A_138 = arith.constant 8 : i32
      %max3A_139 = vector.broadcast %jit3A_137 : i32 to vector<16xi32>
      %max3A_140 = arith.maxsi %max3A_139, %get3A_136 : vector<16xi32>
      %min3A_141 = vector.broadcast %jit3A_138 : i32 to vector<16xi32>
      %min3A_142 = arith.minsi %min3A_141, %max3A_140 : vector<16xi32>
      %shift_left3A_143 = arith.constant 1 : i32
      %shift_left3A_144 = vector.broadcast %shift_left3A_143 : i32 to vector<16xi32>
      %shift_left3A_145 = arith.shli %shift_left3A_144, %min3A_142 : vector<16xi32>
      %convert_element_type3A_146 = arith.sitofp %shift_left3A_145 : vector<16xi32> to vector<16xf32>
      %sub3A_147 = arith.constant 1.000000e+00 : f32
      %sub3A_148 = vector.broadcast %sub3A_147 : f32 to vector<16xf32>
      %sub3A_149 = arith.subf %convert_element_type3A_146, %sub3A_148 : vector<16xf32>
      %sub3A_150 = arith.subf %scan3A_132#1, %scan3A_132#0 : vector<16xf32>
      %gt3A_151 = arith.constant 9.99999993E-9 : f32
      %gt3A_152 = vector.broadcast %gt3A_151 : f32 to vector<16xf32>
      %gt3A_153 = arith.cmpf ogt, %sub3A_150, %gt3A_152 : vector<16xf32>
      %jit3A_154 = arith.constant 1.000000e+00 : f32
      %broadcast_in_dim3A_155 = vector.broadcast %jit3A_154 : f32 to vector<16xf32>
      %select_n3A_156 = arith.select %gt3A_153, %sub3A_150, %broadcast_in_dim3A_155 : vector<16xi1>, vector<16xf32>
      %div3A_157 = arith.divf %sub3A_149, %select_n3A_156 : vector<16xf32>
      %jit3A_158 = arith.constant 0.000000e+00 : f32
      %broadcast_in_dim3A_159 = vector.broadcast %jit3A_158 : f32 to vector<16xf32>
      %select_n3A_160 = arith.select %gt3A_153, %div3A_157, %broadcast_in_dim3A_159 : vector<16xi1>, vector<16xf32>
      %div3A_161 = arith.divf %sub3A_150, %sub3A_149 : vector<16xf32>
      %scan3A_162 = arith.constant 0 : i32
      %scan3A_163 = arith.constant 0 : i32
      %scan3A_164 = arith.constant 96 : i32
      %scan3A_165 = arith.addi %scan3A_163, %scan3A_164 : i32
      %scan3A_166 = arith.constant 1 : i32
      scf.for %scan3A_663 = %scan3A_163 to %scan3A_165 step %scan3A_166  : i32 {
        %get3A_664 = arith.index_cast %scan3A_663 : i32 to index
        %get3A_665 = arith.constant 32 : index
        %get3A_666 = tpu.vector_load %arg5[%get3A_664, %get3A_665] {strides = array<i32>} : memref<96x224xf32, #tpu.memory_space<vmem>>, vector<1x16xf32>,
        %get3A_667 = vector.shape_cast %get3A_666 : vector<1x16xf32> to vector<16xf32>
        %sub3A_668 = arith.subf %get3A_667, %scan3A_132#0 : vector<16xf32>
        %mul3A_669 = arith.mulf %sub3A_668, %select_n3A_160 : vector<16xf32>
        %add3A_670 = arith.constant 5.000000e-01 : f32
        %add3A_671 = vector.broadcast %add3A_670 : f32 to vector<16xf32>
        %add3A_672 = arith.addf %mul3A_669, %add3A_671 : vector<16xf32>
        %convert_element_type3A_673 = arith.fptosi %add3A_672 : vector<16xf32> to vector<16xi32>
        %convert_element_type3A_674 = arith.sitofp %convert_element_type3A_673 : vector<16xi32> to vector<16xf32>
        %mul3A_675 = arith.mulf %convert_element_type3A_674, %div3A_161 : vector<16xf32>
        %add3A_676 = arith.addf %mul3A_675, %scan3A_132#0 : vector<16xf32>
        %swap3A = arith.index_cast %scan3A_663 : i32 to index
        %swap3A_677 = arith.constant 32 : index
        %swap3A_678 = tpu.vector_load %arg6[%swap3A, %swap3A_677] {strides = array<i32>} : memref<96x224xf32, #tpu.memory_space<vmem>>, vector<1x16xf32>,
        %swap3A_679 = vector.shape_cast %swap3A_678 : vector<1x16xf32> to vector<16xf32>
        %swap3A_680 = vector.shape_cast %add3A_676 : vector<16xf32> to vector<1x16xf32>
        tpu.vector_store %arg6[%swap3A, %swap3A_677], %swap3A_680 {strides = array<i32>} : memref<96x224xf32, #tpu.memory_space<vmem>>, vector<1x16xf32>,
      }
      %scan3A_167 = arith.constant 96 : i32
      %get3A_168 = arith.constant 0 : i32
      %get3A_169 = arith.index_cast %get3A_168 : i32 to index
      %get3A_170 = arith.constant 48 : index
      %get3A_171 = tpu.vector_load %arg5[%get3A_169, %get3A_170] {strides = array<i32>} : memref<96x224xf32, #tpu.memory_space<vmem>>, vector<1x16xf32>,
      %get3A_172 = vector.shape_cast %get3A_171 : vector<1x16xf32> to vector<16xf32>
      %scan3A_173 = arith.constant 1 : i32
      %scan3A_174 = arith.constant 95 : i32
      %scan3A_175 = arith.addi %scan3A_173, %scan3A_174 : i32
      %scan3A_176 = arith.constant 1 : i32
      %scan3A_177:2 = scf.for %scan3A_663 = %scan3A_173 to %scan3A_175 step %scan3A_176 iter_args(%scan3A_664 = %get3A_172, %scan3A_665 = %get3A_172) -> (vector<16xf32>, vector<16xf32>)  : i32 {
        %get3A_666 = arith.index_cast %scan3A_663 : i32 to index
        %get3A_667 = arith.constant 48 : index
        %get3A_668 = tpu.vector_load %arg5[%get3A_666, %get3A_667] {strides = array<i32>} : memref<96x224xf32, #tpu.memory_space<vmem>>, vector<1x16xf32>,
        %get3A_669 = vector.shape_cast %get3A_668 : vector<1x16xf32> to vector<16xf32>
        %min3A_670 = arith.minimumf %scan3A_664, %get3A_669 : vector<16xf32>
        %max3A_671 = arith.maximumf %scan3A_665, %get3A_669 : vector<16xf32>
        scf.yield %min3A_670, %max3A_671 : vector<16xf32>, vector<16xf32>
      }
      %scan3A_178 = arith.constant 95 : i32
      %get3A_179 = arith.constant 48 : index
      %get3A_180 = tpu.vector_load %arg7[%get3A_179] {strides = array<i32>} : memref<224xi32, #tpu.memory_space<vmem>>, vector<16xi32>,
      %get3A_181 = vector.shape_cast %get3A_180 : vector<16xi32> to vector<16xi32>
      %jit3A_182 = arith.constant 1 : i32
      %jit3A_183 = arith.constant 8 : i32
      %max3A_184 = vector.broadcast %jit3A_182 : i32 to vector<16xi32>
      %max3A_185 = arith.maxsi %max3A_184, %get3A_181 : vector<16xi32>
      %min3A_186 = vector.broadcast %jit3A_183 : i32 to vector<16xi32>
      %min3A_187 = arith.minsi %min3A_186, %max3A_185 : vector<16xi32>
      %shift_left3A_188 = arith.constant 1 : i32
      %shift_left3A_189 = vector.broadcast %shift_left3A_188 : i32 to vector<16xi32>
      %shift_left3A_190 = arith.shli %shift_left3A_189, %min3A_187 : vector<16xi32>
      %convert_element_type3A_191 = arith.sitofp %shift_left3A_190 : vector<16xi32> to vector<16xf32>
      %sub3A_192 = arith.constant 1.000000e+00 : f32
      %sub3A_193 = vector.broadcast %sub3A_192 : f32 to vector<16xf32>
      %sub3A_194 = arith.subf %convert_element_type3A_191, %sub3A_193 : vector<16xf32>
      %sub3A_195 = arith.subf %scan3A_177#1, %scan3A_177#0 : vector<16xf32>
      %gt3A_196 = arith.constant 9.99999993E-9 : f32
      %gt3A_197 = vector.broadcast %gt3A_196 : f32 to vector<16xf32>
      %gt3A_198 = arith.cmpf ogt, %sub3A_195, %gt3A_197 : vector<16xf32>
      %jit3A_199 = arith.constant 1.000000e+00 : f32
      %broadcast_in_dim3A_200 = vector.broadcast %jit3A_199 : f32 to vector<16xf32>
      %select_n3A_201 = arith.select %gt3A_198, %sub3A_195, %broadcast_in_dim3A_200 : vector<16xi1>, vector<16xf32>
      %div3A_202 = arith.divf %sub3A_194, %select_n3A_201 : vector<16xf32>
      %jit3A_203 = arith.constant 0.000000e+00 : f32
      %broadcast_in_dim3A_204 = vector.broadcast %jit3A_203 : f32 to vector<16xf32>
      %select_n3A_205 = arith.select %gt3A_198, %div3A_202, %broadcast_in_dim3A_204 : vector<16xi1>, vector<16xf32>
      %div3A_206 = arith.divf %sub3A_195, %sub3A_194 : vector<16xf32>
      %scan3A_207 = arith.constant 0 : i32
      %scan3A_208 = arith.constant 0 : i32
      %scan3A_209 = arith.constant 96 : i32
      %scan3A_210 = arith.addi %scan3A_208, %scan3A_209 : i32
      %scan3A_211 = arith.constant 1 : i32
      scf.for %scan3A_663 = %scan3A_208 to %scan3A_210 step %scan3A_211  : i32 {
        %get3A_664 = arith.index_cast %scan3A_663 : i32 to index
        %get3A_665 = arith.constant 48 : index
        %get3A_666 = tpu.vector_load %arg5[%get3A_664, %get3A_665] {strides = array<i32>} : memref<96x224xf32, #tpu.memory_space<vmem>>, vector<1x16xf32>,
        %get3A_667 = vector.shape_cast %get3A_666 : vector<1x16xf32> to vector<16xf32>
        %sub3A_668 = arith.subf %get3A_667, %scan3A_177#0 : vector<16xf32>
        %mul3A_669 = arith.mulf %sub3A_668, %select_n3A_205 : vector<16xf32>
        %add3A_670 = arith.constant 5.000000e-01 : f32
        %add3A_671 = vector.broadcast %add3A_670 : f32 to vector<16xf32>
        %add3A_672 = arith.addf %mul3A_669, %add3A_671 : vector<16xf32>
        %convert_element_type3A_673 = arith.fptosi %add3A_672 : vector<16xf32> to vector<16xi32>
        %convert_element_type3A_674 = arith.sitofp %convert_element_type3A_673 : vector<16xi32> to vector<16xf32>
        %mul3A_675 = arith.mulf %convert_element_type3A_674, %div3A_206 : vector<16xf32>
        %add3A_676 = arith.addf %mul3A_675, %scan3A_177#0 : vector<16xf32>
        %swap3A = arith.index_cast %scan3A_663 : i32 to index
        %swap3A_677 = arith.constant 48 : index
        %swap3A_678 = tpu.vector_load %arg6[%swap3A, %swap3A_677] {strides = array<i32>} : memref<96x224xf32, #tpu.memory_space<vmem>>, vector<1x16xf32>,
        %swap3A_679 = vector.shape_cast %swap3A_678 : vector<1x16xf32> to vector<16xf32>
        %swap3A_680 = vector.shape_cast %add3A_676 : vector<16xf32> to vector<1x16xf32>
        tpu.vector_store %arg6[%swap3A, %swap3A_677], %swap3A_680 {strides = array<i32>} : memref<96x224xf32, #tpu.memory_space<vmem>>, vector<1x16xf32>,
      }
      %scan3A_212 = arith.constant 96 : i32
      %get3A_213 = arith.constant 0 : i32
      %get3A_214 = arith.index_cast %get3A_213 : i32 to index
      %get3A_215 = arith.constant 64 : index
      %get3A_216 = tpu.vector_load %arg5[%get3A_214, %get3A_215] {strides = array<i32>} : memref<96x224xf32, #tpu.memory_space<vmem>>, vector<1x16xf32>,
      %get3A_217 = vector.shape_cast %get3A_216 : vector<1x16xf32> to vector<16xf32>
      %scan3A_218 = arith.constant 1 : i32
      %scan3A_219 = arith.constant 95 : i32
      %scan3A_220 = arith.addi %scan3A_218, %scan3A_219 : i32
      %scan3A_221 = arith.constant 1 : i32
      %scan3A_222:2 = scf.for %scan3A_663 = %scan3A_218 to %scan3A_220 step %scan3A_221 iter_args(%scan3A_664 = %get3A_217, %scan3A_665 = %get3A_217) -> (vector<16xf32>, vector<16xf32>)  : i32 {
        %get3A_666 = arith.index_cast %scan3A_663 : i32 to index
        %get3A_667 = arith.constant 64 : index
        %get3A_668 = tpu.vector_load %arg5[%get3A_666, %get3A_667] {strides = array<i32>} : memref<96x224xf32, #tpu.memory_space<vmem>>, vector<1x16xf32>,
        %get3A_669 = vector.shape_cast %get3A_668 : vector<1x16xf32> to vector<16xf32>
        %min3A_670 = arith.minimumf %scan3A_664, %get3A_669 : vector<16xf32>
        %max3A_671 = arith.maximumf %scan3A_665, %get3A_669 : vector<16xf32>
        scf.yield %min3A_670, %max3A_671 : vector<16xf32>, vector<16xf32>
      }
      %scan3A_223 = arith.constant 95 : i32
      %get3A_224 = arith.constant 64 : index
      %get3A_225 = tpu.vector_load %arg7[%get3A_224] {strides = array<i32>} : memref<224xi32, #tpu.memory_space<vmem>>, vector<16xi32>,
      %get3A_226 = vector.shape_cast %get3A_225 : vector<16xi32> to vector<16xi32>
      %jit3A_227 = arith.constant 1 : i32
      %jit3A_228 = arith.constant 8 : i32
      %max3A_229 = vector.broadcast %jit3A_227 : i32 to vector<16xi32>
      %max3A_230 = arith.maxsi %max3A_229, %get3A_226 : vector<16xi32>
      %min3A_231 = vector.broadcast %jit3A_228 : i32 to vector<16xi32>
      %min3A_232 = arith.minsi %min3A_231, %max3A_230 : vector<16xi32>
      %shift_left3A_233 = arith.constant 1 : i32
      %shift_left3A_234 = vector.broadcast %shift_left3A_233 : i32 to vector<16xi32>
      %shift_left3A_235 = arith.shli %shift_left3A_234, %min3A_232 : vector<16xi32>
      %convert_element_type3A_236 = arith.sitofp %shift_left3A_235 : vector<16xi32> to vector<16xf32>
      %sub3A_237 = arith.constant 1.000000e+00 : f32
      %sub3A_238 = vector.broadcast %sub3A_237 : f32 to vector<16xf32>
      %sub3A_239 = arith.subf %convert_element_type3A_236, %sub3A_238 : vector<16xf32>
      %sub3A_240 = arith.subf %scan3A_222#1, %scan3A_222#0 : vector<16xf32>
      %gt3A_241 = arith.constant 9.99999993E-9 : f32
      %gt3A_242 = vector.broadcast %gt3A_241 : f32 to vector<16xf32>
      %gt3A_243 = arith.cmpf ogt, %sub3A_240, %gt3A_242 : vector<16xf32>
      %jit3A_244 = arith.constant 1.000000e+00 : f32
      %broadcast_in_dim3A_245 = vector.broadcast %jit3A_244 : f32 to vector<16xf32>
      %select_n3A_246 = arith.select %gt3A_243, %sub3A_240, %broadcast_in_dim3A_245 : vector<16xi1>, vector<16xf32>
      %div3A_247 = arith.divf %sub3A_239, %select_n3A_246 : vector<16xf32>
      %jit3A_248 = arith.constant 0.000000e+00 : f32
      %broadcast_in_dim3A_249 = vector.broadcast %jit3A_248 : f32 to vector<16xf32>
      %select_n3A_250 = arith.select %gt3A_243, %div3A_247, %broadcast_in_dim3A_249 : vector<16xi1>, vector<16xf32>
      %div3A_251 = arith.divf %sub3A_240, %sub3A_239 : vector<16xf32>
      %scan3A_252 = arith.constant 0 : i32
      %scan3A_253 = arith.constant 0 : i32
      %scan3A_254 = arith.constant 96 : i32
      %scan3A_255 = arith.addi %scan3A_253, %scan3A_254 : i32
      %scan3A_256 = arith.constant 1 : i32
      scf.for %scan3A_663 = %scan3A_253 to %scan3A_255 step %scan3A_256  : i32 {
        %get3A_664 = arith.index_cast %scan3A_663 : i32 to index
        %get3A_665 = arith.constant 64 : index
        %get3A_666 = tpu.vector_load %arg5[%get3A_664, %get3A_665] {strides = array<i32>} : memref<96x224xf32, #tpu.memory_space<vmem>>, vector<1x16xf32>,
        %get3A_667 = vector.shape_cast %get3A_666 : vector<1x16xf32> to vector<16xf32>
        %sub3A_668 = arith.subf %get3A_667, %scan3A_222#0 : vector<16xf32>
        %mul3A_669 = arith.mulf %sub3A_668, %select_n3A_250 : vector<16xf32>
        %add3A_670 = arith.constant 5.000000e-01 : f32
        %add3A_671 = vector.broadcast %add3A_670 : f32 to vector<16xf32>
        %add3A_672 = arith.addf %mul3A_669, %add3A_671 : vector<16xf32>
        %convert_element_type3A_673 = arith.fptosi %add3A_672 : vector<16xf32> to vector<16xi32>
        %convert_element_type3A_674 = arith.sitofp %convert_element_type3A_673 : vector<16xi32> to vector<16xf32>
        %mul3A_675 = arith.mulf %convert_element_type3A_674, %div3A_251 : vector<16xf32>
        %add3A_676 = arith.addf %mul3A_675, %scan3A_222#0 : vector<16xf32>
        %swap3A = arith.index_cast %scan3A_663 : i32 to index
        %swap3A_677 = arith.constant 64 : index
        %swap3A_678 = tpu.vector_load %arg6[%swap3A, %swap3A_677] {strides = array<i32>} : memref<96x224xf32, #tpu.memory_space<vmem>>, vector<1x16xf32>,
        %swap3A_679 = vector.shape_cast %swap3A_678 : vector<1x16xf32> to vector<16xf32>
        %swap3A_680 = vector.shape_cast %add3A_676 : vector<16xf32> to vector<1x16xf32>
        tpu.vector_store %arg6[%swap3A, %swap3A_677], %swap3A_680 {strides = array<i32>} : memref<96x224xf32, #tpu.memory_space<vmem>>, vector<1x16xf32>,
      }
      %scan3A_257 = arith.constant 96 : i32
      %get3A_258 = arith.constant 0 : i32
      %get3A_259 = arith.index_cast %get3A_258 : i32 to index
      %get3A_260 = arith.constant 80 : index
      %get3A_261 = tpu.vector_load %arg5[%get3A_259, %get3A_260] {strides = array<i32>} : memref<96x224xf32, #tpu.memory_space<vmem>>, vector<1x16xf32>,
      %get3A_262 = vector.shape_cast %get3A_261 : vector<1x16xf32> to vector<16xf32>
      %scan3A_263 = arith.constant 1 : i32
      %scan3A_264 = arith.constant 95 : i32
      %scan3A_265 = arith.addi %scan3A_263, %scan3A_264 : i32
      %scan3A_266 = arith.constant 1 : i32
      %scan3A_267:2 = scf.for %scan3A_663 = %scan3A_263 to %scan3A_265 step %scan3A_266 iter_args(%scan3A_664 = %get3A_262, %scan3A_665 = %get3A_262) -> (vector<16xf32>, vector<16xf32>)  : i32 {
        %get3A_666 = arith.index_cast %scan3A_663 : i32 to index
        %get3A_667 = arith.constant 80 : index
        %get3A_668 = tpu.vector_load %arg5[%get3A_666, %get3A_667] {strides = array<i32>} : memref<96x224xf32, #tpu.memory_space<vmem>>, vector<1x16xf32>,
        %get3A_669 = vector.shape_cast %get3A_668 : vector<1x16xf32> to vector<16xf32>
        %min3A_670 = arith.minimumf %scan3A_664, %get3A_669 : vector<16xf32>
        %max3A_671 = arith.maximumf %scan3A_665, %get3A_669 : vector<16xf32>
        scf.yield %min3A_670, %max3A_671 : vector<16xf32>, vector<16xf32>
      }
      %scan3A_268 = arith.constant 95 : i32
      %get3A_269 = arith.constant 80 : index
      %get3A_270 = tpu.vector_load %arg7[%get3A_269] {strides = array<i32>} : memref<224xi32, #tpu.memory_space<vmem>>, vector<16xi32>,
      %get3A_271 = vector.shape_cast %get3A_270 : vector<16xi32> to vector<16xi32>
      %jit3A_272 = arith.constant 1 : i32
      %jit3A_273 = arith.constant 8 : i32
      %max3A_274 = vector.broadcast %jit3A_272 : i32 to vector<16xi32>
      %max3A_275 = arith.maxsi %max3A_274, %get3A_271 : vector<16xi32>
      %min3A_276 = vector.broadcast %jit3A_273 : i32 to vector<16xi32>
      %min3A_277 = arith.minsi %min3A_276, %max3A_275 : vector<16xi32>
      %shift_left3A_278 = arith.constant 1 : i32
      %shift_left3A_279 = vector.broadcast %shift_left3A_278 : i32 to vector<16xi32>
      %shift_left3A_280 = arith.shli %shift_left3A_279, %min3A_277 : vector<16xi32>
      %convert_element_type3A_281 = arith.sitofp %shift_left3A_280 : vector<16xi32> to vector<16xf32>
      %sub3A_282 = arith.constant 1.000000e+00 : f32
      %sub3A_283 = vector.broadcast %sub3A_282 : f32 to vector<16xf32>
      %sub3A_284 = arith.subf %convert_element_type3A_281, %sub3A_283 : vector<16xf32>
      %sub3A_285 = arith.subf %scan3A_267#1, %scan3A_267#0 : vector<16xf32>
      %gt3A_286 = arith.constant 9.99999993E-9 : f32
      %gt3A_287 = vector.broadcast %gt3A_286 : f32 to vector<16xf32>
      %gt3A_288 = arith.cmpf ogt, %sub3A_285, %gt3A_287 : vector<16xf32>
      %jit3A_289 = arith.constant 1.000000e+00 : f32
      %broadcast_in_dim3A_290 = vector.broadcast %jit3A_289 : f32 to vector<16xf32>
      %select_n3A_291 = arith.select %gt3A_288, %sub3A_285, %broadcast_in_dim3A_290 : vector<16xi1>, vector<16xf32>
      %div3A_292 = arith.divf %sub3A_284, %select_n3A_291 : vector<16xf32>
      %jit3A_293 = arith.constant 0.000000e+00 : f32
      %broadcast_in_dim3A_294 = vector.broadcast %jit3A_293 : f32 to vector<16xf32>
      %select_n3A_295 = arith.select %gt3A_288, %div3A_292, %broadcast_in_dim3A_294 : vector<16xi1>, vector<16xf32>
      %div3A_296 = arith.divf %sub3A_285, %sub3A_284 : vector<16xf32>
      %scan3A_297 = arith.constant 0 : i32
      %scan3A_298 = arith.constant 0 : i32
      %scan3A_299 = arith.constant 96 : i32
      %scan3A_300 = arith.addi %scan3A_298, %scan3A_299 : i32
      %scan3A_301 = arith.constant 1 : i32
      scf.for %scan3A_663 = %scan3A_298 to %scan3A_300 step %scan3A_301  : i32 {
        %get3A_664 = arith.index_cast %scan3A_663 : i32 to index
        %get3A_665 = arith.constant 80 : index
        %get3A_666 = tpu.vector_load %arg5[%get3A_664, %get3A_665] {strides = array<i32>} : memref<96x224xf32, #tpu.memory_space<vmem>>, vector<1x16xf32>,
        %get3A_667 = vector.shape_cast %get3A_666 : vector<1x16xf32> to vector<16xf32>
        %sub3A_668 = arith.subf %get3A_667, %scan3A_267#0 : vector<16xf32>
        %mul3A_669 = arith.mulf %sub3A_668, %select_n3A_295 : vector<16xf32>
        %add3A_670 = arith.constant 5.000000e-01 : f32
        %add3A_671 = vector.broadcast %add3A_670 : f32 to vector<16xf32>
        %add3A_672 = arith.addf %mul3A_669, %add3A_671 : vector<16xf32>
        %convert_element_type3A_673 = arith.fptosi %add3A_672 : vector<16xf32> to vector<16xi32>
        %convert_element_type3A_674 = arith.sitofp %convert_element_type3A_673 : vector<16xi32> to vector<16xf32>
        %mul3A_675 = arith.mulf %convert_element_type3A_674, %div3A_296 : vector<16xf32>
        %add3A_676 = arith.addf %mul3A_675, %scan3A_267#0 : vector<16xf32>
        %swap3A = arith.index_cast %scan3A_663 : i32 to index
        %swap3A_677 = arith.constant 80 : index
        %swap3A_678 = tpu.vector_load %arg6[%swap3A, %swap3A_677] {strides = array<i32>} : memref<96x224xf32, #tpu.memory_space<vmem>>, vector<1x16xf32>,
        %swap3A_679 = vector.shape_cast %swap3A_678 : vector<1x16xf32> to vector<16xf32>
        %swap3A_680 = vector.shape_cast %add3A_676 : vector<16xf32> to vector<1x16xf32>
        tpu.vector_store %arg6[%swap3A, %swap3A_677], %swap3A_680 {strides = array<i32>} : memref<96x224xf32, #tpu.memory_space<vmem>>, vector<1x16xf32>,
      }
      %scan3A_302 = arith.constant 96 : i32
      %get3A_303 = arith.constant 0 : i32
      %get3A_304 = arith.index_cast %get3A_303 : i32 to index
      %get3A_305 = arith.constant 96 : index
      %get3A_306 = tpu.vector_load %arg5[%get3A_304, %get3A_305] {strides = array<i32>} : memref<96x224xf32, #tpu.memory_space<vmem>>, vector<1x16xf32>,
      %get3A_307 = vector.shape_cast %get3A_306 : vector<1x16xf32> to vector<16xf32>
      %scan3A_308 = arith.constant 1 : i32
      %scan3A_309 = arith.constant 95 : i32
      %scan3A_310 = arith.addi %scan3A_308, %scan3A_309 : i32
      %scan3A_311 = arith.constant 1 : i32
      %scan3A_312:2 = scf.for %scan3A_663 = %scan3A_308 to %scan3A_310 step %scan3A_311 iter_args(%scan3A_664 = %get3A_307, %scan3A_665 = %get3A_307) -> (vector<16xf32>, vector<16xf32>)  : i32 {
        %get3A_666 = arith.index_cast %scan3A_663 : i32 to index
        %get3A_667 = arith.constant 96 : index
        %get3A_668 = tpu.vector_load %arg5[%get3A_666, %get3A_667] {strides = array<i32>} : memref<96x224xf32, #tpu.memory_space<vmem>>, vector<1x16xf32>,
        %get3A_669 = vector.shape_cast %get3A_668 : vector<1x16xf32> to vector<16xf32>
        %min3A_670 = arith.minimumf %scan3A_664, %get3A_669 : vector<16xf32>
        %max3A_671 = arith.maximumf %scan3A_665, %get3A_669 : vector<16xf32>
        scf.yield %min3A_670, %max3A_671 : vector<16xf32>, vector<16xf32>
      }
      %scan3A_313 = arith.constant 95 : i32
      %get3A_314 = arith.constant 96 : index
      %get3A_315 = tpu.vector_load %arg7[%get3A_314] {strides = array<i32>} : memref<224xi32, #tpu.memory_space<vmem>>, vector<16xi32>,
      %get3A_316 = vector.shape_cast %get3A_315 : vector<16xi32> to vector<16xi32>
      %jit3A_317 = arith.constant 1 : i32
      %jit3A_318 = arith.constant 8 : i32
      %max3A_319 = vector.broadcast %jit3A_317 : i32 to vector<16xi32>
      %max3A_320 = arith.maxsi %max3A_319, %get3A_316 : vector<16xi32>
      %min3A_321 = vector.broadcast %jit3A_318 : i32 to vector<16xi32>
      %min3A_322 = arith.minsi %min3A_321, %max3A_320 : vector<16xi32>
      %shift_left3A_323 = arith.constant 1 : i32
      %shift_left3A_324 = vector.broadcast %shift_left3A_323 : i32 to vector<16xi32>
      %shift_left3A_325 = arith.shli %shift_left3A_324, %min3A_322 : vector<16xi32>
      %convert_element_type3A_326 = arith.sitofp %shift_left3A_325 : vector<16xi32> to vector<16xf32>
      %sub3A_327 = arith.constant 1.000000e+00 : f32
      %sub3A_328 = vector.broadcast %sub3A_327 : f32 to vector<16xf32>
      %sub3A_329 = arith.subf %convert_element_type3A_326, %sub3A_328 : vector<16xf32>
      %sub3A_330 = arith.subf %scan3A_312#1, %scan3A_312#0 : vector<16xf32>
      %gt3A_331 = arith.constant 9.99999993E-9 : f32
      %gt3A_332 = vector.broadcast %gt3A_331 : f32 to vector<16xf32>
      %gt3A_333 = arith.cmpf ogt, %sub3A_330, %gt3A_332 : vector<16xf32>
      %jit3A_334 = arith.constant 1.000000e+00 : f32
      %broadcast_in_dim3A_335 = vector.broadcast %jit3A_334 : f32 to vector<16xf32>
      %select_n3A_336 = arith.select %gt3A_333, %sub3A_330, %broadcast_in_dim3A_335 : vector<16xi1>, vector<16xf32>
      %div3A_337 = arith.divf %sub3A_329, %select_n3A_336 : vector<16xf32>
      %jit3A_338 = arith.constant 0.000000e+00 : f32
      %broadcast_in_dim3A_339 = vector.broadcast %jit3A_338 : f32 to vector<16xf32>
      %select_n3A_340 = arith.select %gt3A_333, %div3A_337, %broadcast_in_dim3A_339 : vector<16xi1>, vector<16xf32>
      %div3A_341 = arith.divf %sub3A_330, %sub3A_329 : vector<16xf32>
      %scan3A_342 = arith.constant 0 : i32
      %scan3A_343 = arith.constant 0 : i32
      %scan3A_344 = arith.constant 96 : i32
      %scan3A_345 = arith.addi %scan3A_343, %scan3A_344 : i32
      %scan3A_346 = arith.constant 1 : i32
      scf.for %scan3A_663 = %scan3A_343 to %scan3A_345 step %scan3A_346  : i32 {
        %get3A_664 = arith.index_cast %scan3A_663 : i32 to index
        %get3A_665 = arith.constant 96 : index
        %get3A_666 = tpu.vector_load %arg5[%get3A_664, %get3A_665] {strides = array<i32>} : memref<96x224xf32, #tpu.memory_space<vmem>>, vector<1x16xf32>,
        %get3A_667 = vector.shape_cast %get3A_666 : vector<1x16xf32> to vector<16xf32>
        %sub3A_668 = arith.subf %get3A_667, %scan3A_312#0 : vector<16xf32>
        %mul3A_669 = arith.mulf %sub3A_668, %select_n3A_340 : vector<16xf32>
        %add3A_670 = arith.constant 5.000000e-01 : f32
        %add3A_671 = vector.broadcast %add3A_670 : f32 to vector<16xf32>
        %add3A_672 = arith.addf %mul3A_669, %add3A_671 : vector<16xf32>
        %convert_element_type3A_673 = arith.fptosi %add3A_672 : vector<16xf32> to vector<16xi32>
        %convert_element_type3A_674 = arith.sitofp %convert_element_type3A_673 : vector<16xi32> to vector<16xf32>
        %mul3A_675 = arith.mulf %convert_element_type3A_674, %div3A_341 : vector<16xf32>
        %add3A_676 = arith.addf %mul3A_675, %scan3A_312#0 : vector<16xf32>
        %swap3A = arith.index_cast %scan3A_663 : i32 to index
        %swap3A_677 = arith.constant 96 : index
        %swap3A_678 = tpu.vector_load %arg6[%swap3A, %swap3A_677] {strides = array<i32>} : memref<96x224xf32, #tpu.memory_space<vmem>>, vector<1x16xf32>,
        %swap3A_679 = vector.shape_cast %swap3A_678 : vector<1x16xf32> to vector<16xf32>
        %swap3A_680 = vector.shape_cast %add3A_676 : vector<16xf32> to vector<1x16xf32>
        tpu.vector_store %arg6[%swap3A, %swap3A_677], %swap3A_680 {strides = array<i32>} : memref<96x224xf32, #tpu.memory_space<vmem>>, vector<1x16xf32>,
      }
      %scan3A_347 = arith.constant 96 : i32
      %get3A_348 = arith.constant 0 : i32
      %get3A_349 = arith.index_cast %get3A_348 : i32 to index
      %get3A_350 = arith.constant 112 : index
      %get3A_351 = tpu.vector_load %arg5[%get3A_349, %get3A_350] {strides = array<i32>} : memref<96x224xf32, #tpu.memory_space<vmem>>, vector<1x16xf32>,
      %get3A_352 = vector.shape_cast %get3A_351 : vector<1x16xf32> to vector<16xf32>
      %scan3A_353 = arith.constant 1 : i32
      %scan3A_354 = arith.constant 95 : i32
      %scan3A_355 = arith.addi %scan3A_353, %scan3A_354 : i32
      %scan3A_356 = arith.constant 1 : i32
      %scan3A_357:2 = scf.for %scan3A_663 = %scan3A_353 to %scan3A_355 step %scan3A_356 iter_args(%scan3A_664 = %get3A_352, %scan3A_665 = %get3A_352) -> (vector<16xf32>, vector<16xf32>)  : i32 {
        %get3A_666 = arith.index_cast %scan3A_663 : i32 to index
        %get3A_667 = arith.constant 112 : index
        %get3A_668 = tpu.vector_load %arg5[%get3A_666, %get3A_667] {strides = array<i32>} : memref<96x224xf32, #tpu.memory_space<vmem>>, vector<1x16xf32>,
        %get3A_669 = vector.shape_cast %get3A_668 : vector<1x16xf32> to vector<16xf32>
        %min3A_670 = arith.minimumf %scan3A_664, %get3A_669 : vector<16xf32>
        %max3A_671 = arith.maximumf %scan3A_665, %get3A_669 : vector<16xf32>
        scf.yield %min3A_670, %max3A_671 : vector<16xf32>, vector<16xf32>
      }
      %scan3A_358 = arith.constant 95 : i32
      %get3A_359 = arith.constant 112 : index
      %get3A_360 = tpu.vector_load %arg7[%get3A_359] {strides = array<i32>} : memref<224xi32, #tpu.memory_space<vmem>>, vector<16xi32>,
      %get3A_361 = vector.shape_cast %get3A_360 : vector<16xi32> to vector<16xi32>
      %jit3A_362 = arith.constant 1 : i32
      %jit3A_363 = arith.constant 8 : i32
      %max3A_364 = vector.broadcast %jit3A_362 : i32 to vector<16xi32>
      %max3A_365 = arith.maxsi %max3A_364, %get3A_361 : vector<16xi32>
      %min3A_366 = vector.broadcast %jit3A_363 : i32 to vector<16xi32>
      %min3A_367 = arith.minsi %min3A_366, %max3A_365 : vector<16xi32>
      %shift_left3A_368 = arith.constant 1 : i32
      %shift_left3A_369 = vector.broadcast %shift_left3A_368 : i32 to vector<16xi32>
      %shift_left3A_370 = arith.shli %shift_left3A_369, %min3A_367 : vector<16xi32>
      %convert_element_type3A_371 = arith.sitofp %shift_left3A_370 : vector<16xi32> to vector<16xf32>
      %sub3A_372 = arith.constant 1.000000e+00 : f32
      %sub3A_373 = vector.broadcast %sub3A_372 : f32 to vector<16xf32>
      %sub3A_374 = arith.subf %convert_element_type3A_371, %sub3A_373 : vector<16xf32>
      %sub3A_375 = arith.subf %scan3A_357#1, %scan3A_357#0 : vector<16xf32>
      %gt3A_376 = arith.constant 9.99999993E-9 : f32
      %gt3A_377 = vector.broadcast %gt3A_376 : f32 to vector<16xf32>
      %gt3A_378 = arith.cmpf ogt, %sub3A_375, %gt3A_377 : vector<16xf32>
      %jit3A_379 = arith.constant 1.000000e+00 : f32
      %broadcast_in_dim3A_380 = vector.broadcast %jit3A_379 : f32 to vector<16xf32>
      %select_n3A_381 = arith.select %gt3A_378, %sub3A_375, %broadcast_in_dim3A_380 : vector<16xi1>, vector<16xf32>
      %div3A_382 = arith.divf %sub3A_374, %select_n3A_381 : vector<16xf32>
      %jit3A_383 = arith.constant 0.000000e+00 : f32
      %broadcast_in_dim3A_384 = vector.broadcast %jit3A_383 : f32 to vector<16xf32>
      %select_n3A_385 = arith.select %gt3A_378, %div3A_382, %broadcast_in_dim3A_384 : vector<16xi1>, vector<16xf32>
      %div3A_386 = arith.divf %sub3A_375, %sub3A_374 : vector<16xf32>
      %scan3A_387 = arith.constant 0 : i32
      %scan3A_388 = arith.constant 0 : i32
      %scan3A_389 = arith.constant 96 : i32
      %scan3A_390 = arith.addi %scan3A_388, %scan3A_389 : i32
      %scan3A_391 = arith.constant 1 : i32
      scf.for %scan3A_663 = %scan3A_388 to %scan3A_390 step %scan3A_391  : i32 {
        %get3A_664 = arith.index_cast %scan3A_663 : i32 to index
        %get3A_665 = arith.constant 112 : index
        %get3A_666 = tpu.vector_load %arg5[%get3A_664, %get3A_665] {strides = array<i32>} : memref<96x224xf32, #tpu.memory_space<vmem>>, vector<1x16xf32>,
        %get3A_667 = vector.shape_cast %get3A_666 : vector<1x16xf32> to vector<16xf32>
        %sub3A_668 = arith.subf %get3A_667, %scan3A_357#0 : vector<16xf32>
        %mul3A_669 = arith.mulf %sub3A_668, %select_n3A_385 : vector<16xf32>
        %add3A_670 = arith.constant 5.000000e-01 : f32
        %add3A_671 = vector.broadcast %add3A_670 : f32 to vector<16xf32>
        %add3A_672 = arith.addf %mul3A_669, %add3A_671 : vector<16xf32>
        %convert_element_type3A_673 = arith.fptosi %add3A_672 : vector<16xf32> to vector<16xi32>
        %convert_element_type3A_674 = arith.sitofp %convert_element_type3A_673 : vector<16xi32> to vector<16xf32>
        %mul3A_675 = arith.mulf %convert_element_type3A_674, %div3A_386 : vector<16xf32>
        %add3A_676 = arith.addf %mul3A_675, %scan3A_357#0 : vector<16xf32>
        %swap3A = arith.index_cast %scan3A_663 : i32 to index
        %swap3A_677 = arith.constant 112 : index
        %swap3A_678 = tpu.vector_load %arg6[%swap3A, %swap3A_677] {strides = array<i32>} : memref<96x224xf32, #tpu.memory_space<vmem>>, vector<1x16xf32>,
        %swap3A_679 = vector.shape_cast %swap3A_678 : vector<1x16xf32> to vector<16xf32>
        %swap3A_680 = vector.shape_cast %add3A_676 : vector<16xf32> to vector<1x16xf32>
        tpu.vector_store %arg6[%swap3A, %swap3A_677], %swap3A_680 {strides = array<i32>} : memref<96x224xf32, #tpu.memory_space<vmem>>, vector<1x16xf32>,
      }
      %scan3A_392 = arith.constant 96 : i32
      %get3A_393 = arith.constant 0 : i32
      %get3A_394 = arith.index_cast %get3A_393 : i32 to index
      %get3A_395 = arith.constant 128 : index
      %get3A_396 = tpu.vector_load %arg5[%get3A_394, %get3A_395] {strides = array<i32>} : memref<96x224xf32, #tpu.memory_space<vmem>>, vector<1x16xf32>,
      %get3A_397 = vector.shape_cast %get3A_396 : vector<1x16xf32> to vector<16xf32>
      %scan3A_398 = arith.constant 1 : i32
      %scan3A_399 = arith.constant 95 : i32
      %scan3A_400 = arith.addi %scan3A_398, %scan3A_399 : i32
      %scan3A_401 = arith.constant 1 : i32
      %scan3A_402:2 = scf.for %scan3A_663 = %scan3A_398 to %scan3A_400 step %scan3A_401 iter_args(%scan3A_664 = %get3A_397, %scan3A_665 = %get3A_397) -> (vector<16xf32>, vector<16xf32>)  : i32 {
        %get3A_666 = arith.index_cast %scan3A_663 : i32 to index
        %get3A_667 = arith.constant 128 : index
        %get3A_668 = tpu.vector_load %arg5[%get3A_666, %get3A_667] {strides = array<i32>} : memref<96x224xf32, #tpu.memory_space<vmem>>, vector<1x16xf32>,
        %get3A_669 = vector.shape_cast %get3A_668 : vector<1x16xf32> to vector<16xf32>
        %min3A_670 = arith.minimumf %scan3A_664, %get3A_669 : vector<16xf32>
        %max3A_671 = arith.maximumf %scan3A_665, %get3A_669 : vector<16xf32>
        scf.yield %min3A_670, %max3A_671 : vector<16xf32>, vector<16xf32>
      }
      %scan3A_403 = arith.constant 95 : i32
      %get3A_404 = arith.constant 128 : index
      %get3A_405 = tpu.vector_load %arg7[%get3A_404] {strides = array<i32>} : memref<224xi32, #tpu.memory_space<vmem>>, vector<16xi32>,
      %get3A_406 = vector.shape_cast %get3A_405 : vector<16xi32> to vector<16xi32>
      %jit3A_407 = arith.constant 1 : i32
      %jit3A_408 = arith.constant 8 : i32
      %max3A_409 = vector.broadcast %jit3A_407 : i32 to vector<16xi32>
      %max3A_410 = arith.maxsi %max3A_409, %get3A_406 : vector<16xi32>
      %min3A_411 = vector.broadcast %jit3A_408 : i32 to vector<16xi32>
      %min3A_412 = arith.minsi %min3A_411, %max3A_410 : vector<16xi32>
      %shift_left3A_413 = arith.constant 1 : i32
      %shift_left3A_414 = vector.broadcast %shift_left3A_413 : i32 to vector<16xi32>
      %shift_left3A_415 = arith.shli %shift_left3A_414, %min3A_412 : vector<16xi32>
      %convert_element_type3A_416 = arith.sitofp %shift_left3A_415 : vector<16xi32> to vector<16xf32>
      %sub3A_417 = arith.constant 1.000000e+00 : f32
      %sub3A_418 = vector.broadcast %sub3A_417 : f32 to vector<16xf32>
      %sub3A_419 = arith.subf %convert_element_type3A_416, %sub3A_418 : vector<16xf32>
      %sub3A_420 = arith.subf %scan3A_402#1, %scan3A_402#0 : vector<16xf32>
      %gt3A_421 = arith.constant 9.99999993E-9 : f32
      %gt3A_422 = vector.broadcast %gt3A_421 : f32 to vector<16xf32>
      %gt3A_423 = arith.cmpf ogt, %sub3A_420, %gt3A_422 : vector<16xf32>
      %jit3A_424 = arith.constant 1.000000e+00 : f32
      %broadcast_in_dim3A_425 = vector.broadcast %jit3A_424 : f32 to vector<16xf32>
      %select_n3A_426 = arith.select %gt3A_423, %sub3A_420, %broadcast_in_dim3A_425 : vector<16xi1>, vector<16xf32>
      %div3A_427 = arith.divf %sub3A_419, %select_n3A_426 : vector<16xf32>
      %jit3A_428 = arith.constant 0.000000e+00 : f32
      %broadcast_in_dim3A_429 = vector.broadcast %jit3A_428 : f32 to vector<16xf32>
      %select_n3A_430 = arith.select %gt3A_423, %div3A_427, %broadcast_in_dim3A_429 : vector<16xi1>, vector<16xf32>
      %div3A_431 = arith.divf %sub3A_420, %sub3A_419 : vector<16xf32>
      %scan3A_432 = arith.constant 0 : i32
      %scan3A_433 = arith.constant 0 : i32
      %scan3A_434 = arith.constant 96 : i32
      %scan3A_435 = arith.addi %scan3A_433, %scan3A_434 : i32
      %scan3A_436 = arith.constant 1 : i32
      scf.for %scan3A_663 = %scan3A_433 to %scan3A_435 step %scan3A_436  : i32 {
        %get3A_664 = arith.index_cast %scan3A_663 : i32 to index
        %get3A_665 = arith.constant 128 : index
        %get3A_666 = tpu.vector_load %arg5[%get3A_664, %get3A_665] {strides = array<i32>} : memref<96x224xf32, #tpu.memory_space<vmem>>, vector<1x16xf32>,
        %get3A_667 = vector.shape_cast %get3A_666 : vector<1x16xf32> to vector<16xf32>
        %sub3A_668 = arith.subf %get3A_667, %scan3A_402#0 : vector<16xf32>
        %mul3A_669 = arith.mulf %sub3A_668, %select_n3A_430 : vector<16xf32>
        %add3A_670 = arith.constant 5.000000e-01 : f32
        %add3A_671 = vector.broadcast %add3A_670 : f32 to vector<16xf32>
        %add3A_672 = arith.addf %mul3A_669, %add3A_671 : vector<16xf32>
        %convert_element_type3A_673 = arith.fptosi %add3A_672 : vector<16xf32> to vector<16xi32>
        %convert_element_type3A_674 = arith.sitofp %convert_element_type3A_673 : vector<16xi32> to vector<16xf32>
        %mul3A_675 = arith.mulf %convert_element_type3A_674, %div3A_431 : vector<16xf32>
        %add3A_676 = arith.addf %mul3A_675, %scan3A_402#0 : vector<16xf32>
        %swap3A = arith.index_cast %scan3A_663 : i32 to index
        %swap3A_677 = arith.constant 128 : index
        %swap3A_678 = tpu.vector_load %arg6[%swap3A, %swap3A_677] {strides = array<i32>} : memref<96x224xf32, #tpu.memory_space<vmem>>, vector<1x16xf32>,
        %swap3A_679 = vector.shape_cast %swap3A_678 : vector<1x16xf32> to vector<16xf32>
        %swap3A_680 = vector.shape_cast %add3A_676 : vector<16xf32> to vector<1x16xf32>
        tpu.vector_store %arg6[%swap3A, %swap3A_677], %swap3A_680 {strides = array<i32>} : memref<96x224xf32, #tpu.memory_space<vmem>>, vector<1x16xf32>,
      }
      %scan3A_437 = arith.constant 96 : i32
      %get3A_438 = arith.constant 0 : i32
      %get3A_439 = arith.index_cast %get3A_438 : i32 to index
      %get3A_440 = arith.constant 144 : index
      %get3A_441 = tpu.vector_load %arg5[%get3A_439, %get3A_440] {strides = array<i32>} : memref<96x224xf32, #tpu.memory_space<vmem>>, vector<1x16xf32>,
      %get3A_442 = vector.shape_cast %get3A_441 : vector<1x16xf32> to vector<16xf32>
      %scan3A_443 = arith.constant 1 : i32
      %scan3A_444 = arith.constant 95 : i32
      %scan3A_445 = arith.addi %scan3A_443, %scan3A_444 : i32
      %scan3A_446 = arith.constant 1 : i32
      %scan3A_447:2 = scf.for %scan3A_663 = %scan3A_443 to %scan3A_445 step %scan3A_446 iter_args(%scan3A_664 = %get3A_442, %scan3A_665 = %get3A_442) -> (vector<16xf32>, vector<16xf32>)  : i32 {
        %get3A_666 = arith.index_cast %scan3A_663 : i32 to index
        %get3A_667 = arith.constant 144 : index
        %get3A_668 = tpu.vector_load %arg5[%get3A_666, %get3A_667] {strides = array<i32>} : memref<96x224xf32, #tpu.memory_space<vmem>>, vector<1x16xf32>,
        %get3A_669 = vector.shape_cast %get3A_668 : vector<1x16xf32> to vector<16xf32>
        %min3A_670 = arith.minimumf %scan3A_664, %get3A_669 : vector<16xf32>
        %max3A_671 = arith.maximumf %scan3A_665, %get3A_669 : vector<16xf32>
        scf.yield %min3A_670, %max3A_671 : vector<16xf32>, vector<16xf32>
      }
      %scan3A_448 = arith.constant 95 : i32
      %get3A_449 = arith.constant 144 : index
      %get3A_450 = tpu.vector_load %arg7[%get3A_449] {strides = array<i32>} : memref<224xi32, #tpu.memory_space<vmem>>, vector<16xi32>,
      %get3A_451 = vector.shape_cast %get3A_450 : vector<16xi32> to vector<16xi32>
      %jit3A_452 = arith.constant 1 : i32
      %jit3A_453 = arith.constant 8 : i32
      %max3A_454 = vector.broadcast %jit3A_452 : i32 to vector<16xi32>
      %max3A_455 = arith.maxsi %max3A_454, %get3A_451 : vector<16xi32>
      %min3A_456 = vector.broadcast %jit3A_453 : i32 to vector<16xi32>
      %min3A_457 = arith.minsi %min3A_456, %max3A_455 : vector<16xi32>
      %shift_left3A_458 = arith.constant 1 : i32
      %shift_left3A_459 = vector.broadcast %shift_left3A_458 : i32 to vector<16xi32>
      %shift_left3A_460 = arith.shli %shift_left3A_459, %min3A_457 : vector<16xi32>
      %convert_element_type3A_461 = arith.sitofp %shift_left3A_460 : vector<16xi32> to vector<16xf32>
      %sub3A_462 = arith.constant 1.000000e+00 : f32
      %sub3A_463 = vector.broadcast %sub3A_462 : f32 to vector<16xf32>
      %sub3A_464 = arith.subf %convert_element_type3A_461, %sub3A_463 : vector<16xf32>
      %sub3A_465 = arith.subf %scan3A_447#1, %scan3A_447#0 : vector<16xf32>
      %gt3A_466 = arith.constant 9.99999993E-9 : f32
      %gt3A_467 = vector.broadcast %gt3A_466 : f32 to vector<16xf32>
      %gt3A_468 = arith.cmpf ogt, %sub3A_465, %gt3A_467 : vector<16xf32>
      %jit3A_469 = arith.constant 1.000000e+00 : f32
      %broadcast_in_dim3A_470 = vector.broadcast %jit3A_469 : f32 to vector<16xf32>
      %select_n3A_471 = arith.select %gt3A_468, %sub3A_465, %broadcast_in_dim3A_470 : vector<16xi1>, vector<16xf32>
      %div3A_472 = arith.divf %sub3A_464, %select_n3A_471 : vector<16xf32>
      %jit3A_473 = arith.constant 0.000000e+00 : f32
      %broadcast_in_dim3A_474 = vector.broadcast %jit3A_473 : f32 to vector<16xf32>
      %select_n3A_475 = arith.select %gt3A_468, %div3A_472, %broadcast_in_dim3A_474 : vector<16xi1>, vector<16xf32>
      %div3A_476 = arith.divf %sub3A_465, %sub3A_464 : vector<16xf32>
      %scan3A_477 = arith.constant 0 : i32
      %scan3A_478 = arith.constant 0 : i32
      %scan3A_479 = arith.constant 96 : i32
      %scan3A_480 = arith.addi %scan3A_478, %scan3A_479 : i32
      %scan3A_481 = arith.constant 1 : i32
      scf.for %scan3A_663 = %scan3A_478 to %scan3A_480 step %scan3A_481  : i32 {
        %get3A_664 = arith.index_cast %scan3A_663 : i32 to index
        %get3A_665 = arith.constant 144 : index
        %get3A_666 = tpu.vector_load %arg5[%get3A_664, %get3A_665] {strides = array<i32>} : memref<96x224xf32, #tpu.memory_space<vmem>>, vector<1x16xf32>,
        %get3A_667 = vector.shape_cast %get3A_666 : vector<1x16xf32> to vector<16xf32>
        %sub3A_668 = arith.subf %get3A_667, %scan3A_447#0 : vector<16xf32>
        %mul3A_669 = arith.mulf %sub3A_668, %select_n3A_475 : vector<16xf32>
        %add3A_670 = arith.constant 5.000000e-01 : f32
        %add3A_671 = vector.broadcast %add3A_670 : f32 to vector<16xf32>
        %add3A_672 = arith.addf %mul3A_669, %add3A_671 : vector<16xf32>
        %convert_element_type3A_673 = arith.fptosi %add3A_672 : vector<16xf32> to vector<16xi32>
        %convert_element_type3A_674 = arith.sitofp %convert_element_type3A_673 : vector<16xi32> to vector<16xf32>
        %mul3A_675 = arith.mulf %convert_element_type3A_674, %div3A_476 : vector<16xf32>
        %add3A_676 = arith.addf %mul3A_675, %scan3A_447#0 : vector<16xf32>
        %swap3A = arith.index_cast %scan3A_663 : i32 to index
        %swap3A_677 = arith.constant 144 : index
        %swap3A_678 = tpu.vector_load %arg6[%swap3A, %swap3A_677] {strides = array<i32>} : memref<96x224xf32, #tpu.memory_space<vmem>>, vector<1x16xf32>,
        %swap3A_679 = vector.shape_cast %swap3A_678 : vector<1x16xf32> to vector<16xf32>
        %swap3A_680 = vector.shape_cast %add3A_676 : vector<16xf32> to vector<1x16xf32>
        tpu.vector_store %arg6[%swap3A, %swap3A_677], %swap3A_680 {strides = array<i32>} : memref<96x224xf32, #tpu.memory_space<vmem>>, vector<1x16xf32>,
      }
      %scan3A_482 = arith.constant 96 : i32
      %get3A_483 = arith.constant 0 : i32
      %get3A_484 = arith.index_cast %get3A_483 : i32 to index
      %get3A_485 = arith.constant 160 : index
      %get3A_486 = tpu.vector_load %arg5[%get3A_484, %get3A_485] {strides = array<i32>} : memref<96x224xf32, #tpu.memory_space<vmem>>, vector<1x16xf32>,
      %get3A_487 = vector.shape_cast %get3A_486 : vector<1x16xf32> to vector<16xf32>
      %scan3A_488 = arith.constant 1 : i32
      %scan3A_489 = arith.constant 95 : i32
      %scan3A_490 = arith.addi %scan3A_488, %scan3A_489 : i32
      %scan3A_491 = arith.constant 1 : i32
      %scan3A_492:2 = scf.for %scan3A_663 = %scan3A_488 to %scan3A_490 step %scan3A_491 iter_args(%scan3A_664 = %get3A_487, %scan3A_665 = %get3A_487) -> (vector<16xf32>, vector<16xf32>)  : i32 {
        %get3A_666 = arith.index_cast %scan3A_663 : i32 to index
        %get3A_667 = arith.constant 160 : index
        %get3A_668 = tpu.vector_load %arg5[%get3A_666, %get3A_667] {strides = array<i32>} : memref<96x224xf32, #tpu.memory_space<vmem>>, vector<1x16xf32>,
        %get3A_669 = vector.shape_cast %get3A_668 : vector<1x16xf32> to vector<16xf32>
        %min3A_670 = arith.minimumf %scan3A_664, %get3A_669 : vector<16xf32>
        %max3A_671 = arith.maximumf %scan3A_665, %get3A_669 : vector<16xf32>
        scf.yield %min3A_670, %max3A_671 : vector<16xf32>, vector<16xf32>
      }
      %scan3A_493 = arith.constant 95 : i32
      %get3A_494 = arith.constant 160 : index
      %get3A_495 = tpu.vector_load %arg7[%get3A_494] {strides = array<i32>} : memref<224xi32, #tpu.memory_space<vmem>>, vector<16xi32>,
      %get3A_496 = vector.shape_cast %get3A_495 : vector<16xi32> to vector<16xi32>
      %jit3A_497 = arith.constant 1 : i32
      %jit3A_498 = arith.constant 8 : i32
      %max3A_499 = vector.broadcast %jit3A_497 : i32 to vector<16xi32>
      %max3A_500 = arith.maxsi %max3A_499, %get3A_496 : vector<16xi32>
      %min3A_501 = vector.broadcast %jit3A_498 : i32 to vector<16xi32>
      %min3A_502 = arith.minsi %min3A_501, %max3A_500 : vector<16xi32>
      %shift_left3A_503 = arith.constant 1 : i32
      %shift_left3A_504 = vector.broadcast %shift_left3A_503 : i32 to vector<16xi32>
      %shift_left3A_505 = arith.shli %shift_left3A_504, %min3A_502 : vector<16xi32>
      %convert_element_type3A_506 = arith.sitofp %shift_left3A_505 : vector<16xi32> to vector<16xf32>
      %sub3A_507 = arith.constant 1.000000e+00 : f32
      %sub3A_508 = vector.broadcast %sub3A_507 : f32 to vector<16xf32>
      %sub3A_509 = arith.subf %convert_element_type3A_506, %sub3A_508 : vector<16xf32>
      %sub3A_510 = arith.subf %scan3A_492#1, %scan3A_492#0 : vector<16xf32>
      %gt3A_511 = arith.constant 9.99999993E-9 : f32
      %gt3A_512 = vector.broadcast %gt3A_511 : f32 to vector<16xf32>
      %gt3A_513 = arith.cmpf ogt, %sub3A_510, %gt3A_512 : vector<16xf32>
      %jit3A_514 = arith.constant 1.000000e+00 : f32
      %broadcast_in_dim3A_515 = vector.broadcast %jit3A_514 : f32 to vector<16xf32>
      %select_n3A_516 = arith.select %gt3A_513, %sub3A_510, %broadcast_in_dim3A_515 : vector<16xi1>, vector<16xf32>
      %div3A_517 = arith.divf %sub3A_509, %select_n3A_516 : vector<16xf32>
      %jit3A_518 = arith.constant 0.000000e+00 : f32
      %broadcast_in_dim3A_519 = vector.broadcast %jit3A_518 : f32 to vector<16xf32>
      %select_n3A_520 = arith.select %gt3A_513, %div3A_517, %broadcast_in_dim3A_519 : vector<16xi1>, vector<16xf32>
      %div3A_521 = arith.divf %sub3A_510, %sub3A_509 : vector<16xf32>
      %scan3A_522 = arith.constant 0 : i32
      %scan3A_523 = arith.constant 0 : i32
      %scan3A_524 = arith.constant 96 : i32
      %scan3A_525 = arith.addi %scan3A_523, %scan3A_524 : i32
      %scan3A_526 = arith.constant 1 : i32
      scf.for %scan3A_663 = %scan3A_523 to %scan3A_525 step %scan3A_526  : i32 {
        %get3A_664 = arith.index_cast %scan3A_663 : i32 to index
        %get3A_665 = arith.constant 160 : index
        %get3A_666 = tpu.vector_load %arg5[%get3A_664, %get3A_665] {strides = array<i32>} : memref<96x224xf32, #tpu.memory_space<vmem>>, vector<1x16xf32>,
        %get3A_667 = vector.shape_cast %get3A_666 : vector<1x16xf32> to vector<16xf32>
        %sub3A_668 = arith.subf %get3A_667, %scan3A_492#0 : vector<16xf32>
        %mul3A_669 = arith.mulf %sub3A_668, %select_n3A_520 : vector<16xf32>
        %add3A_670 = arith.constant 5.000000e-01 : f32
        %add3A_671 = vector.broadcast %add3A_670 : f32 to vector<16xf32>
        %add3A_672 = arith.addf %mul3A_669, %add3A_671 : vector<16xf32>
        %convert_element_type3A_673 = arith.fptosi %add3A_672 : vector<16xf32> to vector<16xi32>
        %convert_element_type3A_674 = arith.sitofp %convert_element_type3A_673 : vector<16xi32> to vector<16xf32>
        %mul3A_675 = arith.mulf %convert_element_type3A_674, %div3A_521 : vector<16xf32>
        %add3A_676 = arith.addf %mul3A_675, %scan3A_492#0 : vector<16xf32>
        %swap3A = arith.index_cast %scan3A_663 : i32 to index
        %swap3A_677 = arith.constant 160 : index
        %swap3A_678 = tpu.vector_load %arg6[%swap3A, %swap3A_677] {strides = array<i32>} : memref<96x224xf32, #tpu.memory_space<vmem>>, vector<1x16xf32>,
        %swap3A_679 = vector.shape_cast %swap3A_678 : vector<1x16xf32> to vector<16xf32>
        %swap3A_680 = vector.shape_cast %add3A_676 : vector<16xf32> to vector<1x16xf32>
        tpu.vector_store %arg6[%swap3A, %swap3A_677], %swap3A_680 {strides = array<i32>} : memref<96x224xf32, #tpu.memory_space<vmem>>, vector<1x16xf32>,
      }
      %scan3A_527 = arith.constant 96 : i32
      %get3A_528 = arith.constant 0 : i32
      %get3A_529 = arith.index_cast %get3A_528 : i32 to index
      %get3A_530 = arith.constant 176 : index
      %get3A_531 = tpu.vector_load %arg5[%get3A_529, %get3A_530] {strides = array<i32>} : memref<96x224xf32, #tpu.memory_space<vmem>>, vector<1x16xf32>,
      %get3A_532 = vector.shape_cast %get3A_531 : vector<1x16xf32> to vector<16xf32>
      %scan3A_533 = arith.constant 1 : i32
      %scan3A_534 = arith.constant 95 : i32
      %scan3A_535 = arith.addi %scan3A_533, %scan3A_534 : i32
      %scan3A_536 = arith.constant 1 : i32
      %scan3A_537:2 = scf.for %scan3A_663 = %scan3A_533 to %scan3A_535 step %scan3A_536 iter_args(%scan3A_664 = %get3A_532, %scan3A_665 = %get3A_532) -> (vector<16xf32>, vector<16xf32>)  : i32 {
        %get3A_666 = arith.index_cast %scan3A_663 : i32 to index
        %get3A_667 = arith.constant 176 : index
        %get3A_668 = tpu.vector_load %arg5[%get3A_666, %get3A_667] {strides = array<i32>} : memref<96x224xf32, #tpu.memory_space<vmem>>, vector<1x16xf32>,
        %get3A_669 = vector.shape_cast %get3A_668 : vector<1x16xf32> to vector<16xf32>
        %min3A_670 = arith.minimumf %scan3A_664, %get3A_669 : vector<16xf32>
        %max3A_671 = arith.maximumf %scan3A_665, %get3A_669 : vector<16xf32>
        scf.yield %min3A_670, %max3A_671 : vector<16xf32>, vector<16xf32>
      }
      %scan3A_538 = arith.constant 95 : i32
      %get3A_539 = arith.constant 176 : index
      %get3A_540 = tpu.vector_load %arg7[%get3A_539] {strides = array<i32>} : memref<224xi32, #tpu.memory_space<vmem>>, vector<16xi32>,
      %get3A_541 = vector.shape_cast %get3A_540 : vector<16xi32> to vector<16xi32>
      %jit3A_542 = arith.constant 1 : i32
      %jit3A_543 = arith.constant 8 : i32
      %max3A_544 = vector.broadcast %jit3A_542 : i32 to vector<16xi32>
      %max3A_545 = arith.maxsi %max3A_544, %get3A_541 : vector<16xi32>
      %min3A_546 = vector.broadcast %jit3A_543 : i32 to vector<16xi32>
      %min3A_547 = arith.minsi %min3A_546, %max3A_545 : vector<16xi32>
      %shift_left3A_548 = arith.constant 1 : i32
      %shift_left3A_549 = vector.broadcast %shift_left3A_548 : i32 to vector<16xi32>
      %shift_left3A_550 = arith.shli %shift_left3A_549, %min3A_547 : vector<16xi32>
      %convert_element_type3A_551 = arith.sitofp %shift_left3A_550 : vector<16xi32> to vector<16xf32>
      %sub3A_552 = arith.constant 1.000000e+00 : f32
      %sub3A_553 = vector.broadcast %sub3A_552 : f32 to vector<16xf32>
      %sub3A_554 = arith.subf %convert_element_type3A_551, %sub3A_553 : vector<16xf32>
      %sub3A_555 = arith.subf %scan3A_537#1, %scan3A_537#0 : vector<16xf32>
      %gt3A_556 = arith.constant 9.99999993E-9 : f32
      %gt3A_557 = vector.broadcast %gt3A_556 : f32 to vector<16xf32>
      %gt3A_558 = arith.cmpf ogt, %sub3A_555, %gt3A_557 : vector<16xf32>
      %jit3A_559 = arith.constant 1.000000e+00 : f32
      %broadcast_in_dim3A_560 = vector.broadcast %jit3A_559 : f32 to vector<16xf32>
      %select_n3A_561 = arith.select %gt3A_558, %sub3A_555, %broadcast_in_dim3A_560 : vector<16xi1>, vector<16xf32>
      %div3A_562 = arith.divf %sub3A_554, %select_n3A_561 : vector<16xf32>
      %jit3A_563 = arith.constant 0.000000e+00 : f32
      %broadcast_in_dim3A_564 = vector.broadcast %jit3A_563 : f32 to vector<16xf32>
      %select_n3A_565 = arith.select %gt3A_558, %div3A_562, %broadcast_in_dim3A_564 : vector<16xi1>, vector<16xf32>
      %div3A_566 = arith.divf %sub3A_555, %sub3A_554 : vector<16xf32>
      %scan3A_567 = arith.constant 0 : i32
      %scan3A_568 = arith.constant 0 : i32
      %scan3A_569 = arith.constant 96 : i32
      %scan3A_570 = arith.addi %scan3A_568, %scan3A_569 : i32
      %scan3A_571 = arith.constant 1 : i32
      scf.for %scan3A_663 = %scan3A_568 to %scan3A_570 step %scan3A_571  : i32 {
        %get3A_664 = arith.index_cast %scan3A_663 : i32 to index
        %get3A_665 = arith.constant 176 : index
        %get3A_666 = tpu.vector_load %arg5[%get3A_664, %get3A_665] {strides = array<i32>} : memref<96x224xf32, #tpu.memory_space<vmem>>, vector<1x16xf32>,
        %get3A_667 = vector.shape_cast %get3A_666 : vector<1x16xf32> to vector<16xf32>
        %sub3A_668 = arith.subf %get3A_667, %scan3A_537#0 : vector<16xf32>
        %mul3A_669 = arith.mulf %sub3A_668, %select_n3A_565 : vector<16xf32>
        %add3A_670 = arith.constant 5.000000e-01 : f32
        %add3A_671 = vector.broadcast %add3A_670 : f32 to vector<16xf32>
        %add3A_672 = arith.addf %mul3A_669, %add3A_671 : vector<16xf32>
        %convert_element_type3A_673 = arith.fptosi %add3A_672 : vector<16xf32> to vector<16xi32>
        %convert_element_type3A_674 = arith.sitofp %convert_element_type3A_673 : vector<16xi32> to vector<16xf32>
        %mul3A_675 = arith.mulf %convert_element_type3A_674, %div3A_566 : vector<16xf32>
        %add3A_676 = arith.addf %mul3A_675, %scan3A_537#0 : vector<16xf32>
        %swap3A = arith.index_cast %scan3A_663 : i32 to index
        %swap3A_677 = arith.constant 176 : index
        %swap3A_678 = tpu.vector_load %arg6[%swap3A, %swap3A_677] {strides = array<i32>} : memref<96x224xf32, #tpu.memory_space<vmem>>, vector<1x16xf32>,
        %swap3A_679 = vector.shape_cast %swap3A_678 : vector<1x16xf32> to vector<16xf32>
        %swap3A_680 = vector.shape_cast %add3A_676 : vector<16xf32> to vector<1x16xf32>
        tpu.vector_store %arg6[%swap3A, %swap3A_677], %swap3A_680 {strides = array<i32>} : memref<96x224xf32, #tpu.memory_space<vmem>>, vector<1x16xf32>,
      }
      %scan3A_572 = arith.constant 96 : i32
      %get3A_573 = arith.constant 0 : i32
      %get3A_574 = arith.index_cast %get3A_573 : i32 to index
      %get3A_575 = arith.constant 192 : index
      %get3A_576 = tpu.vector_load %arg5[%get3A_574, %get3A_575] {strides = array<i32>} : memref<96x224xf32, #tpu.memory_space<vmem>>, vector<1x16xf32>,
      %get3A_577 = vector.shape_cast %get3A_576 : vector<1x16xf32> to vector<16xf32>
      %scan3A_578 = arith.constant 1 : i32
      %scan3A_579 = arith.constant 95 : i32
      %scan3A_580 = arith.addi %scan3A_578, %scan3A_579 : i32
      %scan3A_581 = arith.constant 1 : i32
      %scan3A_582:2 = scf.for %scan3A_663 = %scan3A_578 to %scan3A_580 step %scan3A_581 iter_args(%scan3A_664 = %get3A_577, %scan3A_665 = %get3A_577) -> (vector<16xf32>, vector<16xf32>)  : i32 {
        %get3A_666 = arith.index_cast %scan3A_663 : i32 to index
        %get3A_667 = arith.constant 192 : index
        %get3A_668 = tpu.vector_load %arg5[%get3A_666, %get3A_667] {strides = array<i32>} : memref<96x224xf32, #tpu.memory_space<vmem>>, vector<1x16xf32>,
        %get3A_669 = vector.shape_cast %get3A_668 : vector<1x16xf32> to vector<16xf32>
        %min3A_670 = arith.minimumf %scan3A_664, %get3A_669 : vector<16xf32>
        %max3A_671 = arith.maximumf %scan3A_665, %get3A_669 : vector<16xf32>
        scf.yield %min3A_670, %max3A_671 : vector<16xf32>, vector<16xf32>
      }
      %scan3A_583 = arith.constant 95 : i32
      %get3A_584 = arith.constant 192 : index
      %get3A_585 = tpu.vector_load %arg7[%get3A_584] {strides = array<i32>} : memref<224xi32, #tpu.memory_space<vmem>>, vector<16xi32>,
      %get3A_586 = vector.shape_cast %get3A_585 : vector<16xi32> to vector<16xi32>
      %jit3A_587 = arith.constant 1 : i32
      %jit3A_588 = arith.constant 8 : i32
      %max3A_589 = vector.broadcast %jit3A_587 : i32 to vector<16xi32>
      %max3A_590 = arith.maxsi %max3A_589, %get3A_586 : vector<16xi32>
      %min3A_591 = vector.broadcast %jit3A_588 : i32 to vector<16xi32>
      %min3A_592 = arith.minsi %min3A_591, %max3A_590 : vector<16xi32>
      %shift_left3A_593 = arith.constant 1 : i32
      %shift_left3A_594 = vector.broadcast %shift_left3A_593 : i32 to vector<16xi32>
      %shift_left3A_595 = arith.shli %shift_left3A_594, %min3A_592 : vector<16xi32>
      %convert_element_type3A_596 = arith.sitofp %shift_left3A_595 : vector<16xi32> to vector<16xf32>
      %sub3A_597 = arith.constant 1.000000e+00 : f32
      %sub3A_598 = vector.broadcast %sub3A_597 : f32 to vector<16xf32>
      %sub3A_599 = arith.subf %convert_element_type3A_596, %sub3A_598 : vector<16xf32>
      %sub3A_600 = arith.subf %scan3A_582#1, %scan3A_582#0 : vector<16xf32>
      %gt3A_601 = arith.constant 9.99999993E-9 : f32
      %gt3A_602 = vector.broadcast %gt3A_601 : f32 to vector<16xf32>
      %gt3A_603 = arith.cmpf ogt, %sub3A_600, %gt3A_602 : vector<16xf32>
      %jit3A_604 = arith.constant 1.000000e+00 : f32
      %broadcast_in_dim3A_605 = vector.broadcast %jit3A_604 : f32 to vector<16xf32>
      %select_n3A_606 = arith.select %gt3A_603, %sub3A_600, %broadcast_in_dim3A_605 : vector<16xi1>, vector<16xf32>
      %div3A_607 = arith.divf %sub3A_599, %select_n3A_606 : vector<16xf32>
      %jit3A_608 = arith.constant 0.000000e+00 : f32
      %broadcast_in_dim3A_609 = vector.broadcast %jit3A_608 : f32 to vector<16xf32>
      %select_n3A_610 = arith.select %gt3A_603, %div3A_607, %broadcast_in_dim3A_609 : vector<16xi1>, vector<16xf32>
      %div3A_611 = arith.divf %sub3A_600, %sub3A_599 : vector<16xf32>
      %scan3A_612 = arith.constant 0 : i32
      %scan3A_613 = arith.constant 0 : i32
      %scan3A_614 = arith.constant 96 : i32
      %scan3A_615 = arith.addi %scan3A_613, %scan3A_614 : i32
      %scan3A_616 = arith.constant 1 : i32
      scf.for %scan3A_663 = %scan3A_613 to %scan3A_615 step %scan3A_616  : i32 {
        %get3A_664 = arith.index_cast %scan3A_663 : i32 to index
        %get3A_665 = arith.constant 192 : index
        %get3A_666 = tpu.vector_load %arg5[%get3A_664, %get3A_665] {strides = array<i32>} : memref<96x224xf32, #tpu.memory_space<vmem>>, vector<1x16xf32>,
        %get3A_667 = vector.shape_cast %get3A_666 : vector<1x16xf32> to vector<16xf32>
        %sub3A_668 = arith.subf %get3A_667, %scan3A_582#0 : vector<16xf32>
        %mul3A_669 = arith.mulf %sub3A_668, %select_n3A_610 : vector<16xf32>
        %add3A_670 = arith.constant 5.000000e-01 : f32
        %add3A_671 = vector.broadcast %add3A_670 : f32 to vector<16xf32>
        %add3A_672 = arith.addf %mul3A_669, %add3A_671 : vector<16xf32>
        %convert_element_type3A_673 = arith.fptosi %add3A_672 : vector<16xf32> to vector<16xi32>
        %convert_element_type3A_674 = arith.sitofp %convert_element_type3A_673 : vector<16xi32> to vector<16xf32>
        %mul3A_675 = arith.mulf %convert_element_type3A_674, %div3A_611 : vector<16xf32>
        %add3A_676 = arith.addf %mul3A_675, %scan3A_582#0 : vector<16xf32>
        %swap3A = arith.index_cast %scan3A_663 : i32 to index
        %swap3A_677 = arith.constant 192 : index
        %swap3A_678 = tpu.vector_load %arg6[%swap3A, %swap3A_677] {strides = array<i32>} : memref<96x224xf32, #tpu.memory_space<vmem>>, vector<1x16xf32>,
        %swap3A_679 = vector.shape_cast %swap3A_678 : vector<1x16xf32> to vector<16xf32>
        %swap3A_680 = vector.shape_cast %add3A_676 : vector<16xf32> to vector<1x16xf32>
        tpu.vector_store %arg6[%swap3A, %swap3A_677], %swap3A_680 {strides = array<i32>} : memref<96x224xf32, #tpu.memory_space<vmem>>, vector<1x16xf32>,
      }
      %scan3A_617 = arith.constant 96 : i32
      %get3A_618 = arith.constant 0 : i32
      %get3A_619 = arith.index_cast %get3A_618 : i32 to index
      %get3A_620 = arith.constant 208 : index
      %get3A_621 = tpu.vector_load %arg5[%get3A_619, %get3A_620] {strides = array<i32>} : memref<96x224xf32, #tpu.memory_space<vmem>>, vector<1x16xf32>,
      %get3A_622 = vector.shape_cast %get3A_621 : vector<1x16xf32> to vector<16xf32>
      %scan3A_623 = arith.constant 1 : i32
      %scan3A_624 = arith.constant 95 : i32
      %scan3A_625 = arith.addi %scan3A_623, %scan3A_624 : i32
      %scan3A_626 = arith.constant 1 : i32
      %scan3A_627:2 = scf.for %scan3A_663 = %scan3A_623 to %scan3A_625 step %scan3A_626 iter_args(%scan3A_664 = %get3A_622, %scan3A_665 = %get3A_622) -> (vector<16xf32>, vector<16xf32>)  : i32 {
        %get3A_666 = arith.index_cast %scan3A_663 : i32 to index
        %get3A_667 = arith.constant 208 : index
        %get3A_668 = tpu.vector_load %arg5[%get3A_666, %get3A_667] {strides = array<i32>} : memref<96x224xf32, #tpu.memory_space<vmem>>, vector<1x16xf32>,
        %get3A_669 = vector.shape_cast %get3A_668 : vector<1x16xf32> to vector<16xf32>
        %min3A_670 = arith.minimumf %scan3A_664, %get3A_669 : vector<16xf32>
        %max3A_671 = arith.maximumf %scan3A_665, %get3A_669 : vector<16xf32>
        scf.yield %min3A_670, %max3A_671 : vector<16xf32>, vector<16xf32>
      }
      %scan3A_628 = arith.constant 95 : i32
      %get3A_629 = arith.constant 208 : index
      %get3A_630 = tpu.vector_load %arg7[%get3A_629] {strides = array<i32>} : memref<224xi32, #tpu.memory_space<vmem>>, vector<16xi32>,
      %get3A_631 = vector.shape_cast %get3A_630 : vector<16xi32> to vector<16xi32>
      %jit3A_632 = arith.constant 1 : i32
      %jit3A_633 = arith.constant 8 : i32
      %max3A_634 = vector.broadcast %jit3A_632 : i32 to vector<16xi32>
      %max3A_635 = arith.maxsi %max3A_634, %get3A_631 : vector<16xi32>
      %min3A_636 = vector.broadcast %jit3A_633 : i32 to vector<16xi32>
      %min3A_637 = arith.minsi %min3A_636, %max3A_635 : vector<16xi32>
      %shift_left3A_638 = arith.constant 1 : i32
      %shift_left3A_639 = vector.broadcast %shift_left3A_638 : i32 to vector<16xi32>
      %shift_left3A_640 = arith.shli %shift_left3A_639, %min3A_637 : vector<16xi32>
      %convert_element_type3A_641 = arith.sitofp %shift_left3A_640 : vector<16xi32> to vector<16xf32>
      %sub3A_642 = arith.constant 1.000000e+00 : f32
      %sub3A_643 = vector.broadcast %sub3A_642 : f32 to vector<16xf32>
      %sub3A_644 = arith.subf %convert_element_type3A_641, %sub3A_643 : vector<16xf32>
      %sub3A_645 = arith.subf %scan3A_627#1, %scan3A_627#0 : vector<16xf32>
      %gt3A_646 = arith.constant 9.99999993E-9 : f32
      %gt3A_647 = vector.broadcast %gt3A_646 : f32 to vector<16xf32>
      %gt3A_648 = arith.cmpf ogt, %sub3A_645, %gt3A_647 : vector<16xf32>
      %jit3A_649 = arith.constant 1.000000e+00 : f32
      %broadcast_in_dim3A_650 = vector.broadcast %jit3A_649 : f32 to vector<16xf32>
      %select_n3A_651 = arith.select %gt3A_648, %sub3A_645, %broadcast_in_dim3A_650 : vector<16xi1>, vector<16xf32>
      %div3A_652 = arith.divf %sub3A_644, %select_n3A_651 : vector<16xf32>
      %jit3A_653 = arith.constant 0.000000e+00 : f32
      %broadcast_in_dim3A_654 = vector.broadcast %jit3A_653 : f32 to vector<16xf32>
      %select_n3A_655 = arith.select %gt3A_648, %div3A_652, %broadcast_in_dim3A_654 : vector<16xi1>, vector<16xf32>
      %div3A_656 = arith.divf %sub3A_645, %sub3A_644 : vector<16xf32>
      %scan3A_657 = arith.constant 0 : i32
      %scan3A_658 = arith.constant 0 : i32
      %scan3A_659 = arith.constant 96 : i32
      %scan3A_660 = arith.addi %scan3A_658, %scan3A_659 : i32
      %scan3A_661 = arith.constant 1 : i32
      scf.for %scan3A_663 = %scan3A_658 to %scan3A_660 step %scan3A_661  : i32 {
        %get3A_664 = arith.index_cast %scan3A_663 : i32 to index
        %get3A_665 = arith.constant 208 : index
        %get3A_666 = tpu.vector_load %arg5[%get3A_664, %get3A_665] {strides = array<i32>} : memref<96x224xf32, #tpu.memory_space<vmem>>, vector<1x16xf32>,
        %get3A_667 = vector.shape_cast %get3A_666 : vector<1x16xf32> to vector<16xf32>
        %sub3A_668 = arith.subf %get3A_667, %scan3A_627#0 : vector<16xf32>
        %mul3A_669 = arith.mulf %sub3A_668, %select_n3A_655 : vector<16xf32>
        %add3A_670 = arith.constant 5.000000e-01 : f32
        %add3A_671 = vector.broadcast %add3A_670 : f32 to vector<16xf32>
        %add3A_672 = arith.addf %mul3A_669, %add3A_671 : vector<16xf32>
        %convert_element_type3A_673 = arith.fptosi %add3A_672 : vector<16xf32> to vector<16xi32>
        %convert_element_type3A_674 = arith.sitofp %convert_element_type3A_673 : vector<16xi32> to vector<16xf32>
        %mul3A_675 = arith.mulf %convert_element_type3A_674, %div3A_656 : vector<16xf32>
        %add3A_676 = arith.addf %mul3A_675, %scan3A_627#0 : vector<16xf32>
        %swap3A = arith.index_cast %scan3A_663 : i32 to index
        %swap3A_677 = arith.constant 208 : index
        %swap3A_678 = tpu.vector_load %arg6[%swap3A, %swap3A_677] {strides = array<i32>} : memref<96x224xf32, #tpu.memory_space<vmem>>, vector<1x16xf32>,
        %swap3A_679 = vector.shape_cast %swap3A_678 : vector<1x16xf32> to vector<16xf32>
        %swap3A_680 = vector.shape_cast %add3A_676 : vector<16xf32> to vector<1x16xf32>
        tpu.vector_store %arg6[%swap3A, %swap3A_677], %swap3A_680 {strides = array<i32>} : memref<96x224xf32, #tpu.memory_space<vmem>>, vector<1x16xf32>,
      }
      %scan3A_662 = arith.constant 96 : i32
      "tpu.region"() ({
        %run_scoped3A = tpu.sem_alloc : memref<!tpu.dma_semaphore, #tpu.memory_space<semaphore_mem>>
        %dma_start3A = arith.constant 0 : i32
        %dma_start3A_663 = arith.constant 0 : i32
        %dma_start3A_664 = tpu.memref_slice %arg4[%select_n3A, %dma_start3A, %select_n3A_39, %dma_start3A_663] : memref<8x96x224x224xf32, #tpu.memory_space<hbm>> -> memref<1x96x1x224xf32, #tpu.memory_space<hbm>>
        %dma_start3A_665 = tpu.memref_squeeze %dma_start3A_664 : memref<1x96x1x224xf32, #tpu.memory_space<hbm>> -> memref<96x224xf32, #tpu.memory_space<hbm>>
        %dma_start3A_666 = arith.constant 0 : i32
        %dma_start3A_667 = arith.constant 0 : i32
        %dma_start3A_668 = tpu.memref_slice %arg4[%select_n3A, %dma_start3A_666, %select_n3A_39, %dma_start3A_667] : memref<8x96x224x224xf32, #tpu.memory_space<hbm>> -> memref<1x96x1x224xf32, #tpu.memory_space<hbm>>
        %dma_start3A_669 = tpu.memref_squeeze %dma_start3A_668 : memref<1x96x1x224xf32, #tpu.memory_space<hbm>> -> memref<96x224xf32, #tpu.memory_space<hbm>>
        tpu.enqueue_dma source(%arg6 : memref<96x224xf32, #tpu.memory_space<vmem>>) target(%dma_start3A_669 : memref<96x224xf32, #tpu.memory_space<hbm>>) target_semaphore(%run_scoped3A : memref<!tpu.dma_semaphore, #tpu.memory_space<semaphore_mem>>)
        %dma_wait3A = arith.constant 0 : i32
        %dma_wait3A_670 = arith.constant 0 : i32
        %dma_wait3A_671 = tpu.memref_slice %arg4[%select_n3A, %dma_wait3A, %select_n3A_39, %dma_wait3A_670] : memref<8x96x224x224xf32, #tpu.memory_space<hbm>> -> memref<1x96x1x224xf32, #tpu.memory_space<hbm>>
        %dma_wait3A_672 = tpu.memref_squeeze %dma_wait3A_671 : memref<1x96x1x224xf32, #tpu.memory_space<hbm>> -> memref<96x224xf32, #tpu.memory_space<hbm>>
        %dma_wait3A_673 = arith.constant 0 : i32
        %dma_wait3A_674 = arith.constant 0 : i32
        %dma_wait3A_675 = tpu.memref_slice %arg4[%select_n3A, %dma_wait3A_673, %select_n3A_39, %dma_wait3A_674] : memref<8x96x224x224xf32, #tpu.memory_space<hbm>> -> memref<1x96x1x224xf32, #tpu.memory_space<hbm>>
        %dma_wait3A_676 = tpu.memref_squeeze %dma_wait3A_675 : memref<1x96x1x224xf32, #tpu.memory_space<hbm>> -> memref<96x224xf32, #tpu.memory_space<hbm>>
        tpu.wait_dma2 semaphore(%run_scoped3A : memref<!tpu.dma_semaphore, #tpu.memory_space<semaphore_mem>>) src(%arg6 : memref<96x224xf32, #tpu.memory_space<vmem>>) dst(%dma_wait3A_676 : memref<96x224xf32, #tpu.memory_space<hbm>>)
        tpu.yield
      }) : () -> ()
    }
    %scan3A_7 = arith.constant 56 : i32
    return
  }
}

</mosaic_0001>

<sc_bundles>
// kernel: _run_sc.3.cloned.1.call-start
scs
__scs_entry_jumppad:
0x0: {  	(pc) =	sbr.rel $0x88, $3  }
0x1: {  	(tag) =	ssettag $0x0;
	lr =	simm.s32 $0x1  }
0x2: {  	[smem:$0x3F9F] =	sst lr;
	_ =	strace $0xD0000000  }
0x3: {  	_ = 	snop  }
0x4: {  	_ = 	snop  }
0x5: {  	_ = 	snop  }
0x6: {  	_ = 	snop  }
0x7: {  	_ = 	snop  }
__scs_overlays_trampoline_lowered:
0x8: {  	[smem:$0x3FAE] =	sst s0  }
0x9: {  	[smem:$0x3FAF] =	sst s1  }
0xa: {  	[smem:$0x3FB0] =	sst s2  }
0xb: {  	[smem:$0x3FB1] =	sst s3  }
0xc: {  	[smem:$0x3FB2] =	sst s4  }
0xd: {  	[smem:$0x3FB3] =	sst s5  }
0xe: {  	[smem:$0x3FB4] =	sst s6  }
0xf: {  	[smem:$0x3FB5] =	sst s7  }
0x10: {  	[smem:$0x3FB6] =	sst s8  }
0x11: {  	[smem:$0x3FB7] =	sst s9;
	s0 =	simm.s32 @!p0 $0x0  }
0x12: {  	s1 =	sld [smem:$0x3F9D];
	s0 =	simm.s32 @p0 $0x1  }
0x13: {  	[smem:$0x3FB8] =	sst s0;
	s0 =	simm.s32 @!p1 $0x0  }
0x14: {  	s2 =	sld [smem:$0x3F9C];
	s0 =	simm.s32 @p1 $0x1  }
0x15: {  	[smem:$0x3FB9] =	sst s0;
	s0 =	simm.s32 @!p2 $0x0  }
0x16: {  	s3 =	sld [smem:$0x3FDB];
	s0 =	simm.s32 @p2 $0x1  }
0x17: {  	s4 =	simm.s32 $0x1BF5;
	[smem:$0x3FBB] =	sst s0  }
0x18: {  	s0 =	sld [smem:$0x3F9E];
	_ =	swait.ge [sflag:s4], $0x0  }
0x19: {  	s7 =	sld [smem:$0x3F9F]  }
0x1a: {  	s8 =	sadd.s32 $0xFFFFE003, lr  }
0x1b: {  	s9 =	sadd.s32 $0xFFFFFEF7, lr;
	s5 =	simm.s32 $0xFFFFFFFF;
	p2 =	slt.u32 s8, $0xFFFFF086  }
0x1c: {  	p1 =	slt.u32 s9, $0xF7A;
	s5 =	simm.s32 @!p2 $0x0  }
0x1d: {  	s5 =	simm.s32 @p1 $0x1;
	p0 =	seq.s32 s7, s2  }
0x1e: {  	s7 =	smul.u32 @!p0 $0xF7A, s2;
	p2 =	seq.s32 @!p0 s5, $0x0  }
0x1f: {  	s9 =	smul.u32 $0xF7A, s1;
	s8 =	simm.s32 @!p0 $0x1BF5;
	p2 =	por !p2, p0  }
0x20: {  	[sflag:s8] =	ssyncset.s32 @!p0 $0xFFFFF086;
	s6 =	sadd.s32 @!p0 s3, s7;
	s7 =	simm.s32 @!p0 $0x108  }
0x21: {  	s3 =	sadd.s32 s3, s9;
	s6 =	sadd.s32 @!p0 $0x88, s6;
	s7 =	simm.s32 @p2 $0x1082  }
0x22: {  	[simem:s7], [sflag:s8] =	dma.local @!p0 [hbm:s6], $0xF7A  }
0x23: {  	s9 =	sor.u32 $0xD0000000, s2;
	s6 =	simm.s32 $0x108;
	_ =	swait.ge @!p0 [sflag:s8], $0x0  }
0x24: {  	s3 =	sadd.s32 $0x88, s3;
	s6 =	simm.s32 @!p1 $0x1082;
	[sflag:s4] =	ssyncset.s32 $0xFFFFF086  }
0x25: {  	[simem:s6], [sflag:s4] =	dma.local [hbm:s3], $0xF7A  }
0x26: {  	[smem:$0x3F9F] =	sst s1;
	(tag) =	ssettag s2;
	_ =	strace s9  }
0x27: {  	s1 =	sld [smem:$0x3FAF]  }
0x28: {  	s2 =	sld [smem:$0x3FB0]  }
0x29: {  	s4 =	sld [smem:$0x3FB2]  }
0x2a: {  	p0 =	seq.s32 s5, $0x0;
	s5 =	sld [smem:$0x3FB3]  }
0x2b: {  	s6 =	sld [smem:$0x3FB4]  }
0x2c: {  	s7 =	sld [smem:$0x3FB5]  }
0x2d: {  	s3 =	simm.s32 $0x108;
	s8 =	sld [smem:$0x3FB6]  }
0x2e: {  	s3 =	simm.s32 @!p0 $0x1082;
	s9 =	sld [smem:$0x3FB7]  }
0x2f: {  	lr =	sadd.s32 s0, s3;
	s0 =	sld [smem:$0x3FAE]  }
0x30: {  	s3 =	sld [smem:$0x3FB1]  }
0x31: {  	[smem:$0x3FBA] =	sst s10  }
0x32: {  	s10 =	sld [smem:$0x3FB8];
	_ =	sdelay $0x3  }
0x33: {  	p0 =	seq.s32 s10, $0x1;
	s10 =	sld [smem:$0x3FBA];
	_ =	sdelay $0x3  }
0x34: {  	[smem:$0x3FBA] =	sst s10  }
0x35: {  	s10 =	sld [smem:$0x3FB9];
	_ =	sdelay $0x3  }
0x36: {  	p1 =	seq.s32 s10, $0x1;
	s10 =	sld [smem:$0x3FBA];
	_ =	sdelay $0x3  }
0x37: {  	[smem:$0x3FBA] =	sst s10  }
0x38: {  	s10 =	sld [smem:$0x3FBB]  }
0x39: {  	_ = 	snop;
	(pc) =	sbr.ind lr, $3  }
0x3a: {  	_ = 	snop  }
0x3b: {  	_ = 	snop  }
0x3c: {  	p2 =	seq.s32 s10, $0x1;
	s10 =	sld [smem:$0x3FBA]  }
0x3d: {  	_ =	shalt  }
0x3e: {  	_ =	shalt  }
0x3f: {  	_ =	shalt  }
0x40: {  	_ =	shalt  }
0x41: {  	_ =	shalt  }
0x42: {  	_ =	shalt  }
0x43: {  	_ =	shalt  }
0x44: {  	_ =	shalt  }
0x45: {  	_ =	shalt  }
0x46: {  	_ =	shalt  }
0x47: {  	_ =	shalt  }
0x48: {  	_ =	shalt  }
0x49: {  	_ =	shalt  }
0x4a: {  	_ =	shalt  }
0x4b: {  	_ =	shalt  }
0x4c: {  	_ =	shalt  }
0x4d: {  	_ =	shalt  }
0x4e: {  	_ =	shalt  }
0x4f: {  	_ =	shalt  }
0x50: {  	_ =	shalt  }
0x51: {  	_ =	shalt  }
0x52: {  	_ =	shalt  }
0x53: {  	_ =	shalt  }
0x54: {  	_ =	shalt  }
0x55: {  	_ =	shalt  }
0x56: {  	_ =	shalt  }
0x57: {  	_ =	shalt  }
0x58: {  	_ =	shalt  }
0x59: {  	_ =	shalt  }
0x5a: {  	_ =	shalt  }
0x5b: {  	_ =	shalt  }
0x5c: {  	_ =	shalt  }
0x5d: {  	_ =	shalt  }
0x5e: {  	_ =	shalt  }
0x5f: {  	_ =	shalt  }
0x60: {  	_ =	shalt  }
0x61: {  	_ =	shalt  }
0x62: {  	_ =	shalt  }
0x63: {  	_ =	shalt  }
0x64: {  	_ =	shalt  }
0x65: {  	_ =	shalt  }
0x66: {  	_ =	shalt  }
0x67: {  	_ =	shalt  }
0x68: {  	_ =	shalt  }
0x69: {  	_ =	shalt  }
0x6a: {  	_ =	shalt  }
0x6b: {  	_ =	shalt  }
0x6c: {  	_ =	shalt  }
0x6d: {  	_ =	shalt  }
0x6e: {  	_ =	shalt  }
0x6f: {  	_ =	shalt  }
0x70: {  	_ =	shalt  }
0x71: {  	_ =	shalt  }
0x72: {  	_ =	shalt  }
0x73: {  	_ =	shalt  }
0x74: {  	_ =	shalt  }
0x75: {  	_ =	shalt  }
0x76: {  	_ =	shalt  }
0x77: {  	_ =	shalt  }
0x78: {  	_ =	shalt  }
0x79: {  	_ =	shalt  }
0x7a: {  	_ =	shalt  }
0x7b: {  	_ =	shalt  }
0x7c: {  	_ =	shalt  }
0x7d: {  	_ =	shalt  }
0x7e: {  	_ =	shalt  }
0x7f: {  	_ =	shalt  }
0x80: {  	_ =	shalt  }
0x81: {  	_ =	shalt  }
0x82: {  	_ =	shalt  }
0x83: {  	_ =	shalt  }
0x84: {  	_ =	shalt  }
0x85: {  	_ =	shalt  }
0x86: {  	_ =	shalt  }
0x87: {  	_ =	shalt  }
.Lfunc_end0:
.L_simem_size_0:
called_computation_lowered:
.L_overlay_start_0:
0x88: {  	s2 =	sld [smem:$0x3FD9]  }
0x89: {  	s3 =	sld [smem:$0x3FFE];
	_ =	sdelay $0x1  }
0x8a: {  	s1 =	srdreg.scid  }
0x8b: {  	s0 =	sand.u32 $0x1, s1  }
0x8c: {  	s18 =	sshll.u32 s0, $0xA;
	s2 =	sadd.s32 s3, s2  }
0x8d: {  	s2 =	sadd.s32 s2, s18  }
0x8e: {  	[smem:$0x3FC6] =	sst s2  }
0x8f: {  	_ = 	snop  }
0x90: {  	s2 =	sld [smem:$0x3FC9]  }
0x91: {  	s19 =	sld [smem:$0x3FC8]  }
0x92: {  	s4 =	sld [smem:$0x3FD0];
	(tm) =	ssettm $0x1  }
0x93: {  	s5 =	sld [smem:$0x3FFB];
	_ =	sdelay $0x3  }
0x94: {  	_ =	strace s5  }
0x95: {  	s5 =	sld [smem:$0x3FFC];
	_ =	sdelay $0x3  }
0x96: {  	_ =	strace s5  }
0x97: {  	s5 =	sld [smem:$0x3FFD];
	_ =	sdelay $0x3  }
0x98: {  	_ =	strace s5  }
0x99: {  	_ =	strace $0x8FFFFFFF  }
0x9a: {  	s20 =	sld [smem:$0x3FDB];
	_ =	sdelay $0x1  }
0x9b: {  	s6 =	simm.s32 $_scs_section_size  }
0x9c: {  	s7 =	simm.s32 $_size__tile_overlayer_lowered;
	s8 =	simm.s32 $_tile_overlayer_lowered  }
0x9d: {  	s23 =	simm.s32 $0x1BFF;
	s22 =	sshll.u32 s8, $0x1;
	s5 =	sadd.s32 s6, s20  }
0x9e: {  	s9 =	simm.s32 $0x0;
	s21 =	sshll.u32 s7, $0x1;
	s7 =	sadd.s32 s22, s5  }
0x9f: {  	[timem:s9], [sflag:s23] =	dma.local [hbm:s7], s21  }
0xa0: {  	_ =	swait.ge [sflag:s23], s21  }
0xa1: {  	s6 =	ssub.s32 $0x0, s21;
	[sflag:s23] =	ssyncset.done $0x0  }
0xa2: {  	[sflag:s23] =	ssyncadd.s32 s6;
	_ =	sdelay $0x1  }
0xa3: {  	s24 =	simm.s32 $0x1B8B  }
0xa4: {  	_ =	swait.ge [sflag:s24], $0x1  }
0xa5: {  	[sflag:s24] =	ssyncset.done $0x0  }
0xa6: {  	s25 =	simm.s32 $0x1B8E;
	[sflag:s24] =	ssyncadd.s32 $0xFFFFFFFF  }
0xa7: {  	s26 =	simm.s32 $execute0_lowered;
	[smem:$0x3FD2] =	sst s25  }
0xa8: {  	s6 =	sshll.u32 s26, $0x1;
	_ =	strace $0x80000046;
	[dreg:$0x1] =	wrdreg $0xFFFFFFFF  }
0xa9: {  	s28 =	simm.s32 $_size_execute0_lowered;
	s5 =	sadd.s32 s5, s6;
	[dreg:$0x0] =	wrdreg $0x0  }
0xaa: {  	s6 =	sshll.u32 s28, $0x1;
	[dreg:$0x2] =	wrdreg s5  }
0xab: {  	[dreg:$0x3] =	wrdreg s6  }
0xac: {  	[dreg:$0x4] =	wrdreg $0xC0  }
0xad: {  	_ =	task [dreg:s9], $0x5FFFF  }
0xae: {  	[dreg:$0x1] =	wrdreg $0xFFFFFFFF  }
0xaf: {  	[dreg:$0x0] =	wrdreg $0x60  }
0xb0: {  	[dreg:$0x2] =	wrdreg s2  }
0xb1: {  	[dreg:$0x3] =	wrdreg s19  }
0xb2: {  	[dreg:$0x4] =	wrdreg s4  }
0xb3: {  	[dreg:$0x5] =	wrdreg $0x9  }
0xb4: {  	_ =	task.clear_ibuf [dreg:s9], $0x6FFFF;
	_ =	strace $0x90000046  }
0xb5: {  	s29 =	simm.s32 $0x9;
	_ =	strace $0x80000048  }
0xb6: {  	_ =	swait.ge [sflag:s29], $0x1  }
0xb7: {  	[sflag:s29] =	ssyncadd.s32 $0xFFFFFFFF  }
0xb8: {  	_ =	strace $0x90000048  }
0xb9: {  	_ =	sfence  }
0xba: {  	s30 =	sld [smem:$0x0];
	_ =	sdelay $0x2  }
0xbb: {  	s31 =	sshll.u32 s1, $0xD;
	s1 =	sshrl.u32 s1, $0x2  }
0xbc: {  	s3 =	sand.u32 $0x4000, s31;
	s1 =	sadd.s32 s1, s30  }
0xbd: {  	s0 =	sor.u32 s3, s0;
	s1 =	sshll.u32 s1, $0x11  }
0xbe: {  	s0 =	sor.u32 s1, s0  }
0xbf: {  	s0 =	sadd.s32 $0x8F2B, s0  }
0xc0: {  	[sflag:s0] =	ssyncadd.remote.s32 $0x1  }
0xc1: {  	_ =	sfence.sel $0xFFFF  }
0xc2: {  	[dreg:$0x0] =	wrdreg $0xFFFFFFFF;
	(pc) =	sbr.abs _section_cstart, $3  }
0xc3: {  	[dreg:$0x1] =	wrdreg $0xFFFFFFFF  }
0xc4: {  	_ =	task.clear_ibuf [dreg:s9], $0x2FFFF;
	_ =	strace $0x9FFFFFFF  }
0xc5: {  	(tm) =	ssettm $0x7FFFFFFF  }
tec
execute0_lowered:
.L_overlay_start_1:
0x0: {  	(tag) =	ssettag $0x1  }
0x1: {  	s1 =	rddreg [dreg:$0x0]  }
0x2: {  	s3 =	rddreg [dreg:$0x1]  }
0x3: {  	s4 =	rddreg [dreg:$0x2];
	s5 =	srdreg.scid  }
0x4: {  	s0 =	rddreg [dreg:$0x3];
	s2 =	stileid.u32;
	s10 =	simm.s32 $0x1  }
0x5: {  	s11 =	simm.s32 $0x400;
	s12 =	simm.s32 $0xC000;
	s6 =	sand.u32 $0x1, s5  }
0x6: {  	s5 =	simm.s32 $0x0;
	s8 =	sshll.u32 s2, $0x1;
	s7 =	ssub.s32 $0x2, s6  }
0x7: {  	[smem:$0x7FF] =	sst s5;
	s6 =	sor.u32 s6, s8;
	s9 =	sshrl.u32 s7, $0x1  }
0x8: {  	s8 =	simm.s32 $0x80;
	_ =	strace $0x80000047;
	s7 =	ssub.s32 s7, s9  }
0x9: {  	v0 =	vimm.s32 $0x1;
	s6 =	smul.u32 $0x38, s6;
	s9 =	simm.s32 $0xE000;
	s7 =	smax.u32 s7, $0x1  }
.LBB2_1:
0xa: {  	s13 =	simm.s32 $0x0  }
.LBB2_2:
0xb: {  	s14 =	sadd.s32 s6, s13  }
0xc: {  	s15 =	sshrl.u32 s14, $0x5  }
0xd: {  	s15 =	smulhi.u32 $0x24924925, s15;
	_ =	sdelay $0x1  }
0xe: {  	s16 =	smul.u32 $0xE0, s15;
	_ =	sdelay $0x1  }
0xf: {  	s14 =	ssub.s32 s14, s16  }
0x10: {  	s18 =	smul.u32 $0x540000, s15;
	s16 =	sshll.u32 s14, $0x8  }
0x11: {  	s14 =	sshll.u32 s14, $0x7;
	s16 =	sand.u32 $0xF800, s16  }
0x12: {  	s17 =	sand.u32 $0x380, s14;
	s31 =	sor.u32 s18, s16  }
0x13: {  	s14 =	sor.u32 s17, s31  }
0x14: {  	s14 =	sshrl.u32 s14, $0x3  }
0x15: {  	s18 =	sadd.s32 s1, s14  }
0x16: {  	s19 =	simm.s32 $0x0;
	s22 =	simm.s32 $0x400;
	s20 =	sadd.s32 $0x0, s18  }
0x17: {  	[tilespmem:s19], [sflag:$0x1] =	stream.strided.gather [hbm4b:s20+s8], $0x400, s9, s8, $0x38;
	[tilespmem:$0xC100] =	vst v63  }
0x18: {  	s19 =	simm.s32 $0xE000;
	s21 =	sadd.s32 $0x80, s20;
	s20 =	simm.s32 $0x800  }
.LBB2_3:
0x19: {  	[tilespmem:s22], [sflag:$0x1] =	stream.strided.gather [hbm4b:s21+s8], $0x400, s9, s8, $0x38;
	[tilespmem:$0xC100] =	vst v63  }
0x1a: {  	s21 =	smov.u32 s19;
	p0 =	sne.s32 s19, $0x9A000  }
.Ltmp0:
0x1b: {  	s19 =	sadd.s32 $0xE000, s19;
	(pc) =	sbr.rel @p0 .LBB2_3-.Ltmp0, $4  }
0x1c: {  	_ = 	snop  }
0x1d: {  	s21 =	sadd.s32 s21, s18  }
0x1e: {  	[tilespmem:s20], [sflag:$0x1] =	stream.strided.gather [hbm4b:s21+s8], $0x400, s9, s8, $0x38;
	[tilespmem:$0xC100] =	vst v63  }
0x1f: {  	s22 =	sadd.s32 $0x400, s20;
	s21 =	sadd.s32 $0x80, s21;
	s20 =	sadd.s32 $0x800, s20  }
0x20: {  	s15 =	smul.u32 $0xE000, s15  }
0x21: {  	[tilespmem:s22], [sflag:$0x1] =	stream.strided.gather [hbm4b:s21+s8], $0x400, s9, s8, $0x38;
	[tilespmem:$0xC100] =	vst v63  }
0x22: {  	s15 =	sadd.s32 s15, s16  }
0x23: {  	_ =	swait.ge [sflag:s10], $0x6000;
	s15 =	sor.u32 s17, s15  }
0x24: {  	[sflag:s10] =	ssyncset.done $0x0;
	s15 =	sshrl.u32 s15, $0x3  }
0x25: {  	[sflag:s10] =	ssyncadd.s32 $0xFFFFA000;
	s29 =	sadd.s32 s3, s15;
	s15 =	simm.s32 $0x80  }
0x26: {  	[tilespmem:s12], [sflag:$0x1] =	stream.strided.gather [hbm4b:s29+s15], $0x100, s11, s15, $0x38;
	[tilespmem:$0xC100] =	vst v63  }
0x27: {  	_ =	swait.ge [sflag:s10], $0x100  }
0x28: {  	[sflag:s10] =	ssyncset.done $0x0  }
0x29: {  	[sflag:s10] =	ssyncadd.s32 $0xFFFFFF00  }
0x2a: {  	v1 =	vld [tilespmem:$0x0];
	_ =	sdelay $0x1  }
0x2b: {  	s30 =	simm.s32 $0x100  }
0x2c: {  	s16 =	sand.u32 $0x7800, s30;
	s31 =	sand.u32 $0x380, s15  }
0x2d: {  	s17 =	sor.u32 s31, s16  }
0x2e: {  	s16 =	simm.s32 $0x200;
	v3 =	vld [tilespmem:s17+$0x0];
	v2 =	vmov v1  }
.LBB2_5:
0x2f: {  	p0 =	sne.s32 s16, $0x5F00  }
.Ltmp1:
0x30: {  	_ = 	snop;
	(pc) =	sbr.rel @p0 .LBB2_5-.Ltmp1, $4  }
0x31: {  	s15 =	sadd.s32 $0x80, s15  }
0x32: {  	s17 =	sand.u32 $0x7800, s16;
	s18 =	sand.u32 $0x380, s15  }
0x33: {  	s17 =	sor.u32 s18, s17  }
0x34: {  	s16 =	sadd.s32 $0x100, s16;
	v1 =	vmin.f32 v1, v3;
	v2 =	vmax.f32 v2, v3;
	v3 =	vld [tilespmem:s17+$0x0]  }
0x35: {  	_ =	sdelay $0x3  }
0x36: {  	v1 =	vmin.f32 v1, v3;
	v2 =	vmax.f32 v2, v3  }
0x37: {  	v3 =	vld [tilespmem:$0xC000];
	v4 =	vsub.f32 v2, v1;
	_ =	sdelay $0x1  }
0x38: {  	vm0 =	vgt.f32 v4, $9.999999930e-09  }
0x39: {  	v2 =	vnsel vm0, $0x3F800000, v4  }
0x3a: {  	(erf) = vrcp.f32 v2  }
0x3b: {  	vm1 =	vgt.s32 v3, $0x1  }
0x3c: {  	v2 =	vnsel vm1, $0x1, v3  }
0x3d: {  	v2 =	vmin.u32 v2, $0x8  }
0x3e: {  	s15 =	simm.s32 $0x0;
	v2 =	vshll.u32 v0, v2  }
0x3f: {  	s16 =	sand.u32 $0x7800, s15;
	s15 =	sand.u32 $0x380, s15;
	v2 =	vcvt.s32.f32 v2  }
0x40: {  	s15 =	sor.u32 s15, s16  }
0x41: {  	v3 =	vld [tilespmem:s15+$0x0];
	v2 =	vadd.f32 $-1.000000000e+00, v2;
	_ =	sdelay $0x1  }
0x42: {  	v5 =	vpop (erf);
	(erf) = vrcp.f32 v2  }
0x43: {  	s30 =	simm.s32 $0x100;
	s17 =	simm.s32 $0x80  }
0x44: {  	s17 =	sand.u32 $0x380, s17;
	s16 =	sand.u32 $0x7800, s30;
	v2 =	vmul.f32 v2, v5  }
0x45: {  	s16 =	sor.u32 s17, s16;
	v3 =	vsub.f32 v3, v1  }
0x46: {  	v5 =	vld [tilespmem:s16+$0x0];
	v2 =	vnsel vm0, $0x0, v2  }
0x47: {  	v3 =	vmul.f32 v3, v2;
	_ =	sdelay $0x1  }
0x48: {  	s31 =	simm.s32 $0x200;
	s18 =	simm.s32 $0x100;
	v3 =	vadd.f32 $5.000000000e-01, v3  }
0x49: {  	s19 =	sand.u32 $0x380, s18;
	s17 =	sand.u32 $0x7800, s31  }
0x4a: {  	s17 =	sor.u32 s19, s17;
	v5 =	vsub.f32 v5, v1;
	v3 =	vtrunc.f32 v3;
	v6 =	vpop (erf)  }
0x4b: {  	v7 =	vcvt.f32.s32 v3;
	v3 =	vmul.f32 v6, v4;
	v4 =	vld [tilespmem:s17+$0x0]  }
0x4c: {  	v6 =	vmul.f32 v5, v2  }
0x4d: {  	s19 =	simm.s32 $0x300;
	v5 =	vcvt.s32.f32 v7  }
.LBB2_7:
0x4e: {  	s20 =	sand.u32 $0x7800, s19;
	s18 =	sadd.s32 $0x80, s18;
	v6 =	vadd.f32 $5.000000000e-01, v6;
	p0 =	sne.s32 s19, $0x5F00  }
.Ltmp2:
0x4f: {  	s19 =	sadd.s32 $0x100, s19;
	s21 =	sand.u32 $0x380, s18;
	v5 =	vmul.f32 v5, v3;
	(pc) =	sbr.rel @p0 .LBB2_7-.Ltmp2, $4  }
0x50: {  	s20 =	sor.u32 s21, s20;
	v7 =	vsub.f32 v4, v1;
	v6 =	vtrunc.f32 v6  }
0x51: {  	v4 =	vld [tilespmem:s20+$0x0];
	v8 =	vcvt.f32.s32 v6;
	v9 =	vadd.f32 v5, v1  }
0x52: {  	v6 =	vmul.f32 v7, v2  }
0x53: {  	v5 =	vcvt.s32.f32 v8;
	[tilespmem:s15+$0x6000] =	vst v9;
	s15 =	smov.u32 s16;
	s16 =	smov.u32 s17;
	s17 =	smov.u32 s20  }
0x54: {  	_ =	sdelay $0x1  }
0x55: {  	v4 =	vsub.f32 v4, v1;
	_ =	sdelay $0x1  }
0x56: {  	v2 =	vmul.f32 v4, v2  }
0x57: {  	v4 =	vadd.f32 $5.000000000e-01, v6  }
0x58: {  	v2 =	vadd.f32 $5.000000000e-01, v2  }
0x59: {  	v4 =	vtrunc.f32 v4  }
0x5a: {  	v4 =	vcvt.f32.s32 v4;
	v2 =	vtrunc.f32 v2  }
0x5b: {  	v2 =	vcvt.f32.s32 v2  }
0x5c: {  	v4 =	vcvt.s32.f32 v4  }
0x5d: {  	v5 =	vmul.f32 v5, v3;
	v2 =	vcvt.s32.f32 v2  }
0x5e: {  	v4 =	vmul.f32 v4, v3  }
0x5f: {  	v5 =	vadd.f32 v5, v1;
	v2 =	vmul.f32 v2, v3  }
0x60: {  	v3 =	vadd.f32 v4, v1  }
0x61: {  	[tilespmem:s15+$0x6000] =	vst v5;
	v1 =	vadd.f32 v2, v1  }
0x62: {  	[tilespmem:s16+$0x6000] =	vst v3  }
0x63: {  	[tilespmem:s17+$0x6000] =	vst v1  }
0x64: {  	v1 =	vld [tilespmem:$0x10];
	_ =	sdelay $0x1  }
0x65: {  	s30 =	simm.s32 $0x100;
	s15 =	simm.s32 $0x80  }
0x66: {  	s31 =	sand.u32 $0x380, s15;
	s16 =	sand.u32 $0x7800, s30  }
0x67: {  	s17 =	sor.u32 s31, s16  }
0x68: {  	s16 =	simm.s32 $0x200;
	v3 =	vld [tilespmem:s17+$0x10];
	v2 =	vmov v1  }
.LBB2_9:
0x69: {  	p0 =	sne.s32 s16, $0x5F00  }
.Ltmp3:
0x6a: {  	_ = 	snop;
	(pc) =	sbr.rel @p0 .LBB2_9-.Ltmp3, $4  }
0x6b: {  	s15 =	sadd.s32 $0x80, s15  }
0x6c: {  	s17 =	sand.u32 $0x7800, s16;
	s18 =	sand.u32 $0x380, s15  }
0x6d: {  	s17 =	sor.u32 s18, s17  }
0x6e: {  	s16 =	sadd.s32 $0x100, s16;
	v1 =	vmin.f32 v1, v3;
	v2 =	vmax.f32 v2, v3;
	v3 =	vld [tilespmem:s17+$0x10]  }
0x6f: {  	_ =	sdelay $0x3  }
0x70: {  	v1 =	vmin.f32 v1, v3;
	v2 =	vmax.f32 v2, v3  }
0x71: {  	v3 =	vld [tilespmem:$0xC010];
	v4 =	vsub.f32 v2, v1;
	_ =	sdelay $0x1  }
0x72: {  	vm0 =	vgt.f32 v4, $9.999999930e-09  }
0x73: {  	v2 =	vnsel vm0, $0x3F800000, v4  }
0x74: {  	(erf) = vrcp.f32 v2  }
0x75: {  	vm1 =	vgt.s32 v3, $0x1  }
0x76: {  	v2 =	vnsel vm1, $0x1, v3  }
0x77: {  	v2 =	vmin.u32 v2, $0x8  }
0x78: {  	s15 =	simm.s32 $0x0;
	v2 =	vshll.u32 v0, v2  }
0x79: {  	s16 =	sand.u32 $0x7800, s15;
	s15 =	sand.u32 $0x380, s15;
	v2 =	vcvt.s32.f32 v2  }
0x7a: {  	s15 =	sor.u32 s16, s15  }
0x7b: {  	v3 =	vld [tilespmem:s15+$0x10];
	v2 =	vadd.f32 $-1.000000000e+00, v2;
	_ =	sdelay $0x1  }
0x7c: {  	v5 =	vpop (erf);
	(erf) = vrcp.f32 v2  }
0x7d: {  	s30 =	simm.s32 $0x100;
	s17 =	simm.s32 $0x80  }
0x7e: {  	s17 =	sand.u32 $0x380, s17;
	s16 =	sand.u32 $0x7800, s30;
	v2 =	vmul.f32 v2, v5  }
0x7f: {  	s16 =	sor.u32 s16, s17;
	v3 =	vsub.f32 v3, v1  }
0x80: {  	v5 =	vld [tilespmem:s16+$0x10];
	v2 =	vnsel vm0, $0x0, v2  }
0x81: {  	v3 =	vmul.f32 v3, v2;
	_ =	sdelay $0x1  }
0x82: {  	s31 =	simm.s32 $0x200;
	s18 =	simm.s32 $0x100;
	v3 =	vadd.f32 $5.000000000e-01, v3  }
0x83: {  	s19 =	sand.u32 $0x380, s18;
	s17 =	sand.u32 $0x7800, s31  }
0x84: {  	s17 =	sor.u32 s17, s19;
	v5 =	vsub.f32 v5, v1;
	v3 =	vtrunc.f32 v3;
	v6 =	vpop (erf)  }
0x85: {  	v7 =	vcvt.f32.s32 v3;
	v3 =	vmul.f32 v6, v4;
	v4 =	vld [tilespmem:s17+$0x10]  }
0x86: {  	v6 =	vmul.f32 v5, v2  }
0x87: {  	s19 =	simm.s32 $0x300;
	v5 =	vcvt.s32.f32 v7  }
.LBB2_11:
0x88: {  	s20 =	sand.u32 $0x7800, s19;
	s18 =	sadd.s32 $0x80, s18;
	v6 =	vadd.f32 $5.000000000e-01, v6;
	p0 =	sne.s32 s19, $0x5F00  }
.Ltmp4:
0x89: {  	s19 =	sadd.s32 $0x100, s19;
	s21 =	sand.u32 $0x380, s18;
	v5 =	vmul.f32 v5, v3;
	(pc) =	sbr.rel @p0 .LBB2_11-.Ltmp4, $4  }
0x8a: {  	s20 =	sor.u32 s20, s21;
	v7 =	vsub.f32 v4, v1;
	v6 =	vtrunc.f32 v6  }
0x8b: {  	v4 =	vld [tilespmem:s20+$0x10];
	v8 =	vcvt.f32.s32 v6;
	v9 =	vadd.f32 v5, v1  }
0x8c: {  	v6 =	vmul.f32 v7, v2  }
0x8d: {  	v5 =	vcvt.s32.f32 v8;
	[tilespmem:s15+$0x6010] =	vst v9;
	s15 =	smov.u32 s16;
	s16 =	smov.u32 s17;
	s17 =	smov.u32 s20  }
0x8e: {  	_ =	sdelay $0x1  }
0x8f: {  	v4 =	vsub.f32 v4, v1;
	_ =	sdelay $0x1  }
0x90: {  	v2 =	vmul.f32 v4, v2  }
0x91: {  	v4 =	vadd.f32 $5.000000000e-01, v6  }
0x92: {  	v2 =	vadd.f32 $5.000000000e-01, v2  }
0x93: {  	v4 =	vtrunc.f32 v4  }
0x94: {  	v4 =	vcvt.f32.s32 v4;
	v2 =	vtrunc.f32 v2  }
0x95: {  	v2 =	vcvt.f32.s32 v2  }
0x96: {  	v4 =	vcvt.s32.f32 v4  }
0x97: {  	v5 =	vmul.f32 v5, v3;
	v2 =	vcvt.s32.f32 v2  }
0x98: {  	v4 =	vmul.f32 v4, v3  }
0x99: {  	v5 =	vadd.f32 v5, v1;
	v2 =	vmul.f32 v2, v3  }
0x9a: {  	v3 =	vadd.f32 v4, v1  }
0x9b: {  	[tilespmem:s15+$0x6010] =	vst v5;
	v1 =	vadd.f32 v2, v1  }
0x9c: {  	[tilespmem:s16+$0x6010] =	vst v3  }
0x9d: {  	[tilespmem:s17+$0x6010] =	vst v1  }
0x9e: {  	v1 =	vld [tilespmem:$0x20];
	_ =	sdelay $0x1  }
0x9f: {  	s30 =	simm.s32 $0x100;
	s15 =	simm.s32 $0x80  }
0xa0: {  	s31 =	sand.u32 $0x380, s15;
	s16 =	sand.u32 $0x7800, s30  }
0xa1: {  	s17 =	sor.u32 s31, s16  }
0xa2: {  	s16 =	simm.s32 $0x200;
	v3 =	vld [tilespmem:s17+$0x20];
	v2 =	vmov v1  }
.LBB2_13:
0xa3: {  	p0 =	sne.s32 s16, $0x5F00  }
.Ltmp5:
0xa4: {  	_ = 	snop;
	(pc) =	sbr.rel @p0 .LBB2_13-.Ltmp5, $4  }
0xa5: {  	s15 =	sadd.s32 $0x80, s15  }
0xa6: {  	s17 =	sand.u32 $0x7800, s16;
	s18 =	sand.u32 $0x380, s15  }
0xa7: {  	s17 =	sor.u32 s18, s17  }
0xa8: {  	s16 =	sadd.s32 $0x100, s16;
	v1 =	vmin.f32 v1, v3;
	v2 =	vmax.f32 v2, v3;
	v3 =	vld [tilespmem:s17+$0x20]  }
0xa9: {  	_ =	sdelay $0x3  }
0xaa: {  	v1 =	vmin.f32 v1, v3;
	v2 =	vmax.f32 v2, v3  }
0xab: {  	v3 =	vld [tilespmem:$0xC020];
	v4 =	vsub.f32 v2, v1;
	_ =	sdelay $0x1  }
0xac: {  	vm0 =	vgt.f32 v4, $9.999999930e-09  }
0xad: {  	v2 =	vnsel vm0, $0x3F800000, v4  }
0xae: {  	(erf) = vrcp.f32 v2  }
0xaf: {  	vm1 =	vgt.s32 v3, $0x1  }
0xb0: {  	v2 =	vnsel vm1, $0x1, v3  }
0xb1: {  	v2 =	vmin.u32 v2, $0x8  }
0xb2: {  	s15 =	simm.s32 $0x0;
	v2 =	vshll.u32 v0, v2  }
0xb3: {  	s16 =	sand.u32 $0x7800, s15;
	s15 =	sand.u32 $0x380, s15;
	v2 =	vcvt.s32.f32 v2  }
0xb4: {  	s15 =	sor.u32 s16, s15  }
0xb5: {  	v3 =	vld [tilespmem:s15+$0x20];
	v2 =	vadd.f32 $-1.000000000e+00, v2;
	_ =	sdelay $0x1  }
0xb6: {  	v5 =	vpop (erf);
	(erf) = vrcp.f32 v2  }
0xb7: {  	s30 =	simm.s32 $0x100;
	s17 =	simm.s32 $0x80  }
0xb8: {  	s17 =	sand.u32 $0x380, s17;
	s16 =	sand.u32 $0x7800, s30;
	v2 =	vmul.f32 v2, v5  }
0xb9: {  	s16 =	sor.u32 s16, s17;
	v3 =	vsub.f32 v3, v1  }
0xba: {  	v5 =	vld [tilespmem:s16+$0x20];
	v2 =	vnsel vm0, $0x0, v2  }
0xbb: {  	v3 =	vmul.f32 v3, v2;
	_ =	sdelay $0x1  }
0xbc: {  	s31 =	simm.s32 $0x200;
	s18 =	simm.s32 $0x100;
	v3 =	vadd.f32 $5.000000000e-01, v3  }
0xbd: {  	s19 =	sand.u32 $0x380, s18;
	s17 =	sand.u32 $0x7800, s31  }
0xbe: {  	s17 =	sor.u32 s17, s19;
	v5 =	vsub.f32 v5, v1;
	v3 =	vtrunc.f32 v3;
	v6 =	vpop (erf)  }
0xbf: {  	v7 =	vcvt.f32.s32 v3;
	v3 =	vmul.f32 v6, v4;
	v4 =	vld [tilespmem:s17+$0x20]  }
0xc0: {  	v6 =	vmul.f32 v5, v2  }
0xc1: {  	s19 =	simm.s32 $0x300;
	v5 =	vcvt.s32.f32 v7  }
.LBB2_15:
0xc2: {  	s20 =	sand.u32 $0x7800, s19;
	s18 =	sadd.s32 $0x80, s18;
	v6 =	vadd.f32 $5.000000000e-01, v6;
	p0 =	sne.s32 s19, $0x5F00  }
.Ltmp6:
0xc3: {  	s19 =	sadd.s32 $0x100, s19;
	s21 =	sand.u32 $0x380, s18;
	v5 =	vmul.f32 v5, v3;
	(pc) =	sbr.rel @p0 .LBB2_15-.Ltmp6, $4  }
0xc4: {  	s20 =	sor.u32 s20, s21;
	v7 =	vsub.f32 v4, v1;
	v6 =	vtrunc.f32 v6  }
0xc5: {  	v4 =	vld [tilespmem:s20+$0x20];
	v8 =	vcvt.f32.s32 v6;
	v9 =	vadd.f32 v5, v1  }
0xc6: {  	v6 =	vmul.f32 v7, v2  }
0xc7: {  	v5 =	vcvt.s32.f32 v8;
	[tilespmem:s15+$0x6020] =	vst v9;
	s15 =	smov.u32 s16;
	s16 =	smov.u32 s17;
	s17 =	smov.u32 s20  }
0xc8: {  	_ =	sdelay $0x1  }
0xc9: {  	v4 =	vsub.f32 v4, v1;
	_ =	sdelay $0x1  }
0xca: {  	v2 =	vmul.f32 v4, v2  }
0xcb: {  	v4 =	vadd.f32 $5.000000000e-01, v6  }
0xcc: {  	v2 =	vadd.f32 $5.000000000e-01, v2  }
0xcd: {  	v4 =	vtrunc.f32 v4  }
0xce: {  	v4 =	vcvt.f32.s32 v4;
	v2 =	vtrunc.f32 v2  }
0xcf: {  	v2 =	vcvt.f32.s32 v2  }
0xd0: {  	v4 =	vcvt.s32.f32 v4  }
0xd1: {  	v5 =	vmul.f32 v5, v3;
	v2 =	vcvt.s32.f32 v2  }
0xd2: {  	v4 =	vmul.f32 v4, v3  }
0xd3: {  	v5 =	vadd.f32 v5, v1;
	v2 =	vmul.f32 v2, v3  }
0xd4: {  	v3 =	vadd.f32 v4, v1  }
0xd5: {  	[tilespmem:s15+$0x6020] =	vst v5;
	v1 =	vadd.f32 v2, v1  }
0xd6: {  	[tilespmem:s16+$0x6020] =	vst v3  }
0xd7: {  	[tilespmem:s17+$0x6020] =	vst v1  }
0xd8: {  	v1 =	vld [tilespmem:$0x30];
	_ =	sdelay $0x1  }
0xd9: {  	s30 =	simm.s32 $0x100;
	s15 =	simm.s32 $0x80  }
0xda: {  	s31 =	sand.u32 $0x380, s15;
	s16 =	sand.u32 $0x7800, s30  }
0xdb: {  	s17 =	sor.u32 s31, s16  }
0xdc: {  	s16 =	simm.s32 $0x200;
	v3 =	vld [tilespmem:s17+$0x30];
	v2 =	vmov v1  }
.LBB2_17:
0xdd: {  	p0 =	sne.s32 s16, $0x5F00  }
.Ltmp7:
0xde: {  	_ = 	snop;
	(pc) =	sbr.rel @p0 .LBB2_17-.Ltmp7, $4  }
0xdf: {  	s15 =	sadd.s32 $0x80, s15  }
0xe0: {  	s17 =	sand.u32 $0x7800, s16;
	s18 =	sand.u32 $0x380, s15  }
0xe1: {  	s17 =	sor.u32 s18, s17  }
0xe2: {  	s16 =	sadd.s32 $0x100, s16;
	v1 =	vmin.f32 v1, v3;
	v2 =	vmax.f32 v2, v3;
	v3 =	vld [tilespmem:s17+$0x30]  }
0xe3: {  	_ =	sdelay $0x3  }
0xe4: {  	v1 =	vmin.f32 v1, v3;
	v2 =	vmax.f32 v2, v3  }
0xe5: {  	v3 =	vld [tilespmem:$0xC030];
	v4 =	vsub.f32 v2, v1;
	_ =	sdelay $0x1  }
0xe6: {  	vm0 =	vgt.f32 v4, $9.999999930e-09  }
0xe7: {  	v2 =	vnsel vm0, $0x3F800000, v4  }
0xe8: {  	(erf) = vrcp.f32 v2  }
0xe9: {  	vm1 =	vgt.s32 v3, $0x1  }
0xea: {  	v2 =	vnsel vm1, $0x1, v3  }
0xeb: {  	v2 =	vmin.u32 v2, $0x8  }
0xec: {  	s15 =	simm.s32 $0x0;
	v2 =	vshll.u32 v0, v2  }
0xed: {  	s16 =	sand.u32 $0x7800, s15;
	s15 =	sand.u32 $0x380, s15;
	v2 =	vcvt.s32.f32 v2  }
0xee: {  	s15 =	sor.u32 s16, s15  }
0xef: {  	v3 =	vld [tilespmem:s15+$0x30];
	v2 =	vadd.f32 $-1.000000000e+00, v2;
	_ =	sdelay $0x1  }
0xf0: {  	v5 =	vpop (erf);
	(erf) = vrcp.f32 v2  }
0xf1: {  	s30 =	simm.s32 $0x100;
	s17 =	simm.s32 $0x80  }
0xf2: {  	s17 =	sand.u32 $0x380, s17;
	s16 =	sand.u32 $0x7800, s30;
	v2 =	vmul.f32 v2, v5  }
0xf3: {  	s16 =	sor.u32 s16, s17;
	v3 =	vsub.f32 v3, v1  }
0xf4: {  	v5 =	vld [tilespmem:s16+$0x30];
	v2 =	vnsel vm0, $0x0, v2  }
0xf5: {  	v3 =	vmul.f32 v3, v2;
	_ =	sdelay $0x1  }
0xf6: {  	s31 =	simm.s32 $0x200;
	s18 =	simm.s32 $0x100;
	v3 =	vadd.f32 $5.000000000e-01, v3  }
0xf7: {  	s19 =	sand.u32 $0x380, s18;
	s17 =	sand.u32 $0x7800, s31  }
0xf8: {  	s17 =	sor.u32 s17, s19;
	v5 =	vsub.f32 v5, v1;
	v3 =	vtrunc.f32 v3;
	v6 =	vpop (erf)  }
0xf9: {  	v7 =	vcvt.f32.s32 v3;
	v3 =	vmul.f32 v6, v4;
	v4 =	vld [tilespmem:s17+$0x30]  }
0xfa: {  	v6 =	vmul.f32 v5, v2  }
0xfb: {  	s19 =	simm.s32 $0x300;
	v5 =	vcvt.s32.f32 v7  }
.LBB2_19:
0xfc: {  	s20 =	sand.u32 $0x7800, s19;
	s18 =	sadd.s32 $0x80, s18;
	v6 =	vadd.f32 $5.000000000e-01, v6;
	p0 =	sne.s32 s19, $0x5F00  }
.Ltmp8:
0xfd: {  	s19 =	sadd.s32 $0x100, s19;
	s21 =	sand.u32 $0x380, s18;
	v5 =	vmul.f32 v5, v3;
	(pc) =	sbr.rel @p0 .LBB2_19-.Ltmp8, $4  }
0xfe: {  	s20 =	sor.u32 s20, s21;
	v7 =	vsub.f32 v4, v1;
	v6 =	vtrunc.f32 v6  }
0xff: {  	v4 =	vld [tilespmem:s20+$0x30];
	v8 =	vcvt.f32.s32 v6;
	v9 =	vadd.f32 v5, v1  }
0x100: {  	v6 =	vmul.f32 v7, v2  }
0x101: {  	v5 =	vcvt.s32.f32 v8;
	[tilespmem:s15+$0x6030] =	vst v9;
	s15 =	smov.u32 s16;
	s16 =	smov.u32 s17;
	s17 =	smov.u32 s20  }
0x102: {  	_ =	sdelay $0x1  }
0x103: {  	v4 =	vsub.f32 v4, v1;
	_ =	sdelay $0x1  }
0x104: {  	v2 =	vmul.f32 v4, v2  }
0x105: {  	v4 =	vadd.f32 $5.000000000e-01, v6  }
0x106: {  	v2 =	vadd.f32 $5.000000000e-01, v2  }
0x107: {  	v4 =	vtrunc.f32 v4  }
0x108: {  	v4 =	vcvt.f32.s32 v4;
	v2 =	vtrunc.f32 v2  }
0x109: {  	v2 =	vcvt.f32.s32 v2  }
0x10a: {  	v4 =	vcvt.s32.f32 v4  }
0x10b: {  	v5 =	vmul.f32 v5, v3;
	v2 =	vcvt.s32.f32 v2  }
0x10c: {  	v4 =	vmul.f32 v4, v3  }
0x10d: {  	v5 =	vadd.f32 v5, v1;
	v2 =	vmul.f32 v2, v3  }
0x10e: {  	v3 =	vadd.f32 v4, v1  }
0x10f: {  	[tilespmem:s15+$0x6030] =	vst v5;
	v1 =	vadd.f32 v2, v1  }
0x110: {  	[tilespmem:s16+$0x6030] =	vst v3  }
0x111: {  	[tilespmem:s17+$0x6030] =	vst v1  }
0x112: {  	v1 =	vld [tilespmem:$0x40];
	_ =	sdelay $0x1  }
0x113: {  	s30 =	simm.s32 $0x100;
	s15 =	simm.s32 $0x80  }
0x114: {  	s31 =	sand.u32 $0x380, s15;
	s16 =	sand.u32 $0x7800, s30  }
0x115: {  	s17 =	sor.u32 s31, s16  }
0x116: {  	s16 =	simm.s32 $0x200;
	v3 =	vld [tilespmem:s17+$0x40];
	v2 =	vmov v1  }
.LBB2_21:
0x117: {  	p0 =	sne.s32 s16, $0x5F00  }
.Ltmp9:
0x118: {  	_ = 	snop;
	(pc) =	sbr.rel @p0 .LBB2_21-.Ltmp9, $4  }
0x119: {  	s15 =	sadd.s32 $0x80, s15  }
0x11a: {  	s17 =	sand.u32 $0x7800, s16;
	s18 =	sand.u32 $0x380, s15  }
0x11b: {  	s17 =	sor.u32 s18, s17  }
0x11c: {  	s16 =	sadd.s32 $0x100, s16;
	v1 =	vmin.f32 v1, v3;
	v2 =	vmax.f32 v2, v3;
	v3 =	vld [tilespmem:s17+$0x40]  }
0x11d: {  	_ =	sdelay $0x3  }
0x11e: {  	v1 =	vmin.f32 v1, v3;
	v2 =	vmax.f32 v2, v3  }
0x11f: {  	v3 =	vld [tilespmem:$0xC040];
	v4 =	vsub.f32 v2, v1;
	_ =	sdelay $0x1  }
0x120: {  	vm0 =	vgt.f32 v4, $9.999999930e-09  }
0x121: {  	v2 =	vnsel vm0, $0x3F800000, v4  }
0x122: {  	(erf) = vrcp.f32 v2  }
0x123: {  	vm1 =	vgt.s32 v3, $0x1  }
0x124: {  	v2 =	vnsel vm1, $0x1, v3  }
0x125: {  	v2 =	vmin.u32 v2, $0x8  }
0x126: {  	s15 =	simm.s32 $0x0;
	v2 =	vshll.u32 v0, v2  }
0x127: {  	s16 =	sand.u32 $0x7800, s15;
	s15 =	sand.u32 $0x380, s15;
	v2 =	vcvt.s32.f32 v2  }
0x128: {  	s15 =	sor.u32 s16, s15  }
0x129: {  	v3 =	vld [tilespmem:s15+$0x40];
	v2 =	vadd.f32 $-1.000000000e+00, v2;
	_ =	sdelay $0x1  }
0x12a: {  	v5 =	vpop (erf);
	(erf) = vrcp.f32 v2  }
0x12b: {  	s30 =	simm.s32 $0x100;
	s17 =	simm.s32 $0x80  }
0x12c: {  	s17 =	sand.u32 $0x380, s17;
	s16 =	sand.u32 $0x7800, s30;
	v2 =	vmul.f32 v2, v5  }
0x12d: {  	s16 =	sor.u32 s16, s17;
	v3 =	vsub.f32 v3, v1  }
0x12e: {  	v5 =	vld [tilespmem:s16+$0x40];
	v2 =	vnsel vm0, $0x0, v2  }
0x12f: {  	v3 =	vmul.f32 v3, v2;
	_ =	sdelay $0x1  }
0x130: {  	s31 =	simm.s32 $0x200;
	s18 =	simm.s32 $0x100;
	v3 =	vadd.f32 $5.000000000e-01, v3  }
0x131: {  	s19 =	sand.u32 $0x380, s18;
	s17 =	sand.u32 $0x7800, s31  }
0x132: {  	s17 =	sor.u32 s17, s19;
	v5 =	vsub.f32 v5, v1;
	v3 =	vtrunc.f32 v3;
	v6 =	vpop (erf)  }
0x133: {  	v7 =	vcvt.f32.s32 v3;
	v3 =	vmul.f32 v6, v4;
	v4 =	vld [tilespmem:s17+$0x40]  }
0x134: {  	v6 =	vmul.f32 v5, v2  }
0x135: {  	s19 =	simm.s32 $0x300;
	v5 =	vcvt.s32.f32 v7  }
.LBB2_23:
0x136: {  	s20 =	sand.u32 $0x7800, s19;
	s18 =	sadd.s32 $0x80, s18;
	v6 =	vadd.f32 $5.000000000e-01, v6;
	p0 =	sne.s32 s19, $0x5F00  }
.Ltmp10:
0x137: {  	s19 =	sadd.s32 $0x100, s19;
	s21 =	sand.u32 $0x380, s18;
	v5 =	vmul.f32 v5, v3;
	(pc) =	sbr.rel @p0 .LBB2_23-.Ltmp10, $4  }
0x138: {  	s20 =	sor.u32 s20, s21;
	v7 =	vsub.f32 v4, v1;
	v6 =	vtrunc.f32 v6  }
0x139: {  	v4 =	vld [tilespmem:s20+$0x40];
	v8 =	vcvt.f32.s32 v6;
	v9 =	vadd.f32 v5, v1  }
0x13a: {  	v6 =	vmul.f32 v7, v2  }
0x13b: {  	v5 =	vcvt.s32.f32 v8;
	[tilespmem:s15+$0x6040] =	vst v9;
	s15 =	smov.u32 s16;
	s16 =	smov.u32 s17;
	s17 =	smov.u32 s20  }
0x13c: {  	_ =	sdelay $0x1  }
0x13d: {  	v4 =	vsub.f32 v4, v1;
	_ =	sdelay $0x1  }
0x13e: {  	v2 =	vmul.f32 v4, v2  }
0x13f: {  	v4 =	vadd.f32 $5.000000000e-01, v6  }
0x140: {  	v2 =	vadd.f32 $5.000000000e-01, v2  }
0x141: {  	v4 =	vtrunc.f32 v4  }
0x142: {  	v4 =	vcvt.f32.s32 v4;
	v2 =	vtrunc.f32 v2  }
0x143: {  	v2 =	vcvt.f32.s32 v2  }
0x144: {  	v4 =	vcvt.s32.f32 v4  }
0x145: {  	v5 =	vmul.f32 v5, v3;
	v2 =	vcvt.s32.f32 v2  }
0x146: {  	v4 =	vmul.f32 v4, v3  }
0x147: {  	v5 =	vadd.f32 v5, v1;
	v2 =	vmul.f32 v2, v3  }
0x148: {  	v3 =	vadd.f32 v4, v1  }
0x149: {  	[tilespmem:s15+$0x6040] =	vst v5;
	v1 =	vadd.f32 v2, v1  }
0x14a: {  	[tilespmem:s16+$0x6040] =	vst v3  }
0x14b: {  	[tilespmem:s17+$0x6040] =	vst v1  }
0x14c: {  	v1 =	vld [tilespmem:$0x50];
	_ =	sdelay $0x1  }
0x14d: {  	s30 =	simm.s32 $0x100;
	s15 =	simm.s32 $0x80  }
0x14e: {  	s31 =	sand.u32 $0x380, s15;
	s16 =	sand.u32 $0x7800, s30  }
0x14f: {  	s17 =	sor.u32 s31, s16  }
0x150: {  	s16 =	simm.s32 $0x200;
	v3 =	vld [tilespmem:s17+$0x50];
	v2 =	vmov v1  }
.LBB2_25:
0x151: {  	p0 =	sne.s32 s16, $0x5F00  }
.Ltmp11:
0x152: {  	_ = 	snop;
	(pc) =	sbr.rel @p0 .LBB2_25-.Ltmp11, $4  }
0x153: {  	s15 =	sadd.s32 $0x80, s15  }
0x154: {  	s17 =	sand.u32 $0x7800, s16;
	s18 =	sand.u32 $0x380, s15  }
0x155: {  	s17 =	sor.u32 s18, s17  }
0x156: {  	s16 =	sadd.s32 $0x100, s16;
	v1 =	vmin.f32 v1, v3;
	v2 =	vmax.f32 v2, v3;
	v3 =	vld [tilespmem:s17+$0x50]  }
0x157: {  	_ =	sdelay $0x3  }
0x158: {  	v1 =	vmin.f32 v1, v3;
	v2 =	vmax.f32 v2, v3  }
0x159: {  	v3 =	vld [tilespmem:$0xC050];
	v4 =	vsub.f32 v2, v1;
	_ =	sdelay $0x1  }
0x15a: {  	vm0 =	vgt.f32 v4, $9.999999930e-09  }
0x15b: {  	v2 =	vnsel vm0, $0x3F800000, v4  }
0x15c: {  	(erf) = vrcp.f32 v2  }
0x15d: {  	vm1 =	vgt.s32 v3, $0x1  }
0x15e: {  	v2 =	vnsel vm1, $0x1, v3  }
0x15f: {  	v2 =	vmin.u32 v2, $0x8  }
0x160: {  	s15 =	simm.s32 $0x0;
	v2 =	vshll.u32 v0, v2  }
0x161: {  	s16 =	sand.u32 $0x7800, s15;
	s15 =	sand.u32 $0x380, s15;
	v2 =	vcvt.s32.f32 v2  }
0x162: {  	s15 =	sor.u32 s16, s15  }
0x163: {  	v3 =	vld [tilespmem:s15+$0x50];
	v2 =	vadd.f32 $-1.000000000e+00, v2;
	_ =	sdelay $0x1  }
0x164: {  	v5 =	vpop (erf);
	(erf) = vrcp.f32 v2  }
0x165: {  	s30 =	simm.s32 $0x100;
	s17 =	simm.s32 $0x80  }
0x166: {  	s17 =	sand.u32 $0x380, s17;
	s16 =	sand.u32 $0x7800, s30;
	v2 =	vmul.f32 v2, v5  }
0x167: {  	s16 =	sor.u32 s16, s17;
	v3 =	vsub.f32 v3, v1  }
0x168: {  	v5 =	vld [tilespmem:s16+$0x50];
	v2 =	vnsel vm0, $0x0, v2  }
0x169: {  	v3 =	vmul.f32 v3, v2;
	_ =	sdelay $0x1  }
0x16a: {  	s31 =	simm.s32 $0x200;
	s18 =	simm.s32 $0x100;
	v3 =	vadd.f32 $5.000000000e-01, v3  }
0x16b: {  	s19 =	sand.u32 $0x380, s18;
	s17 =	sand.u32 $0x7800, s31  }
0x16c: {  	s17 =	sor.u32 s17, s19;
	v5 =	vsub.f32 v5, v1;
	v3 =	vtrunc.f32 v3;
	v6 =	vpop (erf)  }
0x16d: {  	v7 =	vcvt.f32.s32 v3;
	v3 =	vmul.f32 v6, v4;
	v4 =	vld [tilespmem:s17+$0x50]  }
0x16e: {  	v6 =	vmul.f32 v5, v2  }
0x16f: {  	s19 =	simm.s32 $0x300;
	v5 =	vcvt.s32.f32 v7  }
.LBB2_27:
0x170: {  	s20 =	sand.u32 $0x7800, s19;
	s18 =	sadd.s32 $0x80, s18;
	v6 =	vadd.f32 $5.000000000e-01, v6;
	p0 =	sne.s32 s19, $0x5F00  }
.Ltmp12:
0x171: {  	s19 =	sadd.s32 $0x100, s19;
	s21 =	sand.u32 $0x380, s18;
	v5 =	vmul.f32 v5, v3;
	(pc) =	sbr.rel @p0 .LBB2_27-.Ltmp12, $4  }
0x172: {  	s20 =	sor.u32 s20, s21;
	v7 =	vsub.f32 v4, v1;
	v6 =	vtrunc.f32 v6  }
0x173: {  	v4 =	vld [tilespmem:s20+$0x50];
	v8 =	vcvt.f32.s32 v6;
	v9 =	vadd.f32 v5, v1  }
0x174: {  	v6 =	vmul.f32 v7, v2  }
0x175: {  	v5 =	vcvt.s32.f32 v8;
	[tilespmem:s15+$0x6050] =	vst v9;
	s15 =	smov.u32 s16;
	s16 =	smov.u32 s17;
	s17 =	smov.u32 s20  }
0x176: {  	_ =	sdelay $0x1  }
0x177: {  	v4 =	vsub.f32 v4, v1;
	_ =	sdelay $0x1  }
0x178: {  	v2 =	vmul.f32 v4, v2  }
0x179: {  	v4 =	vadd.f32 $5.000000000e-01, v6  }
0x17a: {  	v2 =	vadd.f32 $5.000000000e-01, v2  }
0x17b: {  	v4 =	vtrunc.f32 v4  }
0x17c: {  	v4 =	vcvt.f32.s32 v4;
	v2 =	vtrunc.f32 v2  }
0x17d: {  	v2 =	vcvt.f32.s32 v2  }
0x17e: {  	v4 =	vcvt.s32.f32 v4  }
0x17f: {  	v5 =	vmul.f32 v5, v3;
	v2 =	vcvt.s32.f32 v2  }
0x180: {  	v4 =	vmul.f32 v4, v3  }
0x181: {  	v5 =	vadd.f32 v5, v1;
	v2 =	vmul.f32 v2, v3  }
0x182: {  	v3 =	vadd.f32 v4, v1  }
0x183: {  	[tilespmem:s15+$0x6050] =	vst v5;
	v1 =	vadd.f32 v2, v1  }
0x184: {  	[tilespmem:s16+$0x6050] =	vst v3  }
0x185: {  	[tilespmem:s17+$0x6050] =	vst v1  }
0x186: {  	v1 =	vld [tilespmem:$0x60];
	_ =	sdelay $0x1  }
0x187: {  	s30 =	simm.s32 $0x100;
	s15 =	simm.s32 $0x80  }
0x188: {  	s31 =	sand.u32 $0x380, s15;
	s16 =	sand.u32 $0x7800, s30  }
0x189: {  	s17 =	sor.u32 s31, s16  }
0x18a: {  	s16 =	simm.s32 $0x200;
	v3 =	vld [tilespmem:s17+$0x60];
	v2 =	vmov v1  }
.LBB2_29:
0x18b: {  	p0 =	sne.s32 s16, $0x5F00  }
.Ltmp13:
0x18c: {  	_ = 	snop;
	(pc) =	sbr.rel @p0 .LBB2_29-.Ltmp13, $4  }
0x18d: {  	s15 =	sadd.s32 $0x80, s15  }
0x18e: {  	s17 =	sand.u32 $0x7800, s16;
	s18 =	sand.u32 $0x380, s15  }
0x18f: {  	s17 =	sor.u32 s18, s17  }
0x190: {  	s16 =	sadd.s32 $0x100, s16;
	v1 =	vmin.f32 v1, v3;
	v2 =	vmax.f32 v2, v3;
	v3 =	vld [tilespmem:s17+$0x60]  }
0x191: {  	_ =	sdelay $0x3  }
0x192: {  	v1 =	vmin.f32 v1, v3;
	v2 =	vmax.f32 v2, v3  }
0x193: {  	v3 =	vld [tilespmem:$0xC060];
	v4 =	vsub.f32 v2, v1;
	_ =	sdelay $0x1  }
0x194: {  	vm0 =	vgt.f32 v4, $9.999999930e-09  }
0x195: {  	v2 =	vnsel vm0, $0x3F800000, v4  }
0x196: {  	(erf) = vrcp.f32 v2  }
0x197: {  	vm1 =	vgt.s32 v3, $0x1  }
0x198: {  	v2 =	vnsel vm1, $0x1, v3  }
0x199: {  	v2 =	vmin.u32 v2, $0x8  }
0x19a: {  	s15 =	simm.s32 $0x0;
	v2 =	vshll.u32 v0, v2  }
0x19b: {  	s16 =	sand.u32 $0x7800, s15;
	s15 =	sand.u32 $0x380, s15;
	v2 =	vcvt.s32.f32 v2  }
0x19c: {  	s15 =	sor.u32 s16, s15  }
0x19d: {  	v3 =	vld [tilespmem:s15+$0x60];
	v2 =	vadd.f32 $-1.000000000e+00, v2;
	_ =	sdelay $0x1  }
0x19e: {  	v5 =	vpop (erf);
	(erf) = vrcp.f32 v2  }
0x19f: {  	s30 =	simm.s32 $0x100;
	s17 =	simm.s32 $0x80  }
0x1a0: {  	s17 =	sand.u32 $0x380, s17;
	s16 =	sand.u32 $0x7800, s30;
	v2 =	vmul.f32 v2, v5  }
0x1a1: {  	s16 =	sor.u32 s16, s17;
	v3 =	vsub.f32 v3, v1  }
0x1a2: {  	v5 =	vld [tilespmem:s16+$0x60];
	v2 =	vnsel vm0, $0x0, v2  }
0x1a3: {  	v3 =	vmul.f32 v3, v2;
	_ =	sdelay $0x1  }
0x1a4: {  	s31 =	simm.s32 $0x200;
	s18 =	simm.s32 $0x100;
	v3 =	vadd.f32 $5.000000000e-01, v3  }
0x1a5: {  	s19 =	sand.u32 $0x380, s18;
	s17 =	sand.u32 $0x7800, s31  }
0x1a6: {  	s17 =	sor.u32 s17, s19;
	v5 =	vsub.f32 v5, v1;
	v3 =	vtrunc.f32 v3;
	v6 =	vpop (erf)  }
0x1a7: {  	v7 =	vcvt.f32.s32 v3;
	v3 =	vmul.f32 v6, v4;
	v4 =	vld [tilespmem:s17+$0x60]  }
0x1a8: {  	v6 =	vmul.f32 v5, v2  }
0x1a9: {  	s19 =	simm.s32 $0x300;
	v5 =	vcvt.s32.f32 v7  }
.LBB2_31:
0x1aa: {  	s20 =	sand.u32 $0x7800, s19;
	s18 =	sadd.s32 $0x80, s18;
	v6 =	vadd.f32 $5.000000000e-01, v6;
	p0 =	sne.s32 s19, $0x5F00  }
.Ltmp14:
0x1ab: {  	s19 =	sadd.s32 $0x100, s19;
	s21 =	sand.u32 $0x380, s18;
	v5 =	vmul.f32 v5, v3;
	(pc) =	sbr.rel @p0 .LBB2_31-.Ltmp14, $4  }
0x1ac: {  	s20 =	sor.u32 s20, s21;
	v7 =	vsub.f32 v4, v1;
	v6 =	vtrunc.f32 v6  }
0x1ad: {  	v4 =	vld [tilespmem:s20+$0x60];
	v8 =	vcvt.f32.s32 v6;
	v9 =	vadd.f32 v5, v1  }
0x1ae: {  	v6 =	vmul.f32 v7, v2  }
0x1af: {  	v5 =	vcvt.s32.f32 v8;
	[tilespmem:s15+$0x6060] =	vst v9;
	s15 =	smov.u32 s16;
	s16 =	smov.u32 s17;
	s17 =	smov.u32 s20  }
0x1b0: {  	_ =	sdelay $0x1  }
0x1b1: {  	v4 =	vsub.f32 v4, v1;
	_ =	sdelay $0x1  }
0x1b2: {  	v2 =	vmul.f32 v4, v2  }
0x1b3: {  	v4 =	vadd.f32 $5.000000000e-01, v6  }
0x1b4: {  	v2 =	vadd.f32 $5.000000000e-01, v2  }
0x1b5: {  	v4 =	vtrunc.f32 v4  }
0x1b6: {  	v4 =	vcvt.f32.s32 v4;
	v2 =	vtrunc.f32 v2  }
0x1b7: {  	v2 =	vcvt.f32.s32 v2  }
0x1b8: {  	v4 =	vcvt.s32.f32 v4  }
0x1b9: {  	v5 =	vmul.f32 v5, v3;
	v2 =	vcvt.s32.f32 v2  }
0x1ba: {  	v4 =	vmul.f32 v4, v3  }
0x1bb: {  	v5 =	vadd.f32 v5, v1;
	v2 =	vmul.f32 v2, v3  }
0x1bc: {  	v3 =	vadd.f32 v4, v1  }
0x1bd: {  	[tilespmem:s15+$0x6060] =	vst v5;
	v1 =	vadd.f32 v2, v1  }
0x1be: {  	[tilespmem:s16+$0x6060] =	vst v3  }
0x1bf: {  	[tilespmem:s17+$0x6060] =	vst v1  }
0x1c0: {  	v1 =	vld [tilespmem:$0x70];
	_ =	sdelay $0x1  }
0x1c1: {  	s30 =	simm.s32 $0x100;
	s15 =	simm.s32 $0x80  }
0x1c2: {  	s31 =	sand.u32 $0x380, s15;
	s16 =	sand.u32 $0x7800, s30  }
0x1c3: {  	s17 =	sor.u32 s31, s16  }
0x1c4: {  	s16 =	simm.s32 $0x200;
	v3 =	vld [tilespmem:s17+$0x70];
	v2 =	vmov v1  }
.LBB2_33:
0x1c5: {  	p0 =	sne.s32 s16, $0x5F00  }
.Ltmp15:
0x1c6: {  	_ = 	snop;
	(pc) =	sbr.rel @p0 .LBB2_33-.Ltmp15, $4  }
0x1c7: {  	s15 =	sadd.s32 $0x80, s15  }
0x1c8: {  	s17 =	sand.u32 $0x7800, s16;
	s18 =	sand.u32 $0x380, s15  }
0x1c9: {  	s17 =	sor.u32 s18, s17  }
0x1ca: {  	s16 =	sadd.s32 $0x100, s16;
	v1 =	vmin.f32 v1, v3;
	v2 =	vmax.f32 v2, v3;
	v3 =	vld [tilespmem:s17+$0x70]  }
0x1cb: {  	_ =	sdelay $0x3  }
0x1cc: {  	v1 =	vmin.f32 v1, v3;
	v2 =	vmax.f32 v2, v3  }
0x1cd: {  	v3 =	vld [tilespmem:$0xC070];
	v4 =	vsub.f32 v2, v1;
	_ =	sdelay $0x1  }
0x1ce: {  	vm0 =	vgt.f32 v4, $9.999999930e-09  }
0x1cf: {  	v2 =	vnsel vm0, $0x3F800000, v4  }
0x1d0: {  	(erf) = vrcp.f32 v2  }
0x1d1: {  	vm1 =	vgt.s32 v3, $0x1  }
0x1d2: {  	v2 =	vnsel vm1, $0x1, v3  }
0x1d3: {  	v2 =	vmin.u32 v2, $0x8  }
0x1d4: {  	s15 =	simm.s32 $0x0;
	v2 =	vshll.u32 v0, v2  }
0x1d5: {  	s16 =	sand.u32 $0x7800, s15;
	s15 =	sand.u32 $0x380, s15;
	v2 =	vcvt.s32.f32 v2  }
0x1d6: {  	s15 =	sor.u32 s16, s15  }
0x1d7: {  	v3 =	vld [tilespmem:s15+$0x70];
	v2 =	vadd.f32 $-1.000000000e+00, v2;
	_ =	sdelay $0x1  }
0x1d8: {  	v5 =	vpop (erf);
	(erf) = vrcp.f32 v2  }
0x1d9: {  	s30 =	simm.s32 $0x100;
	s17 =	simm.s32 $0x80  }
0x1da: {  	s17 =	sand.u32 $0x380, s17;
	s16 =	sand.u32 $0x7800, s30;
	v2 =	vmul.f32 v2, v5  }
0x1db: {  	s16 =	sor.u32 s16, s17;
	v3 =	vsub.f32 v3, v1  }
0x1dc: {  	v5 =	vld [tilespmem:s16+$0x70];
	v2 =	vnsel vm0, $0x0, v2  }
0x1dd: {  	v3 =	vmul.f32 v3, v2;
	_ =	sdelay $0x1  }
0x1de: {  	s31 =	simm.s32 $0x200;
	s18 =	simm.s32 $0x100;
	v3 =	vadd.f32 $5.000000000e-01, v3  }
0x1df: {  	s19 =	sand.u32 $0x380, s18;
	s17 =	sand.u32 $0x7800, s31  }
0x1e0: {  	s17 =	sor.u32 s17, s19;
	v5 =	vsub.f32 v5, v1;
	v3 =	vtrunc.f32 v3;
	v6 =	vpop (erf)  }
0x1e1: {  	v7 =	vcvt.f32.s32 v3;
	v3 =	vmul.f32 v6, v4;
	v4 =	vld [tilespmem:s17+$0x70]  }
0x1e2: {  	v6 =	vmul.f32 v5, v2  }
0x1e3: {  	s19 =	simm.s32 $0x300;
	v5 =	vcvt.s32.f32 v7  }
.LBB2_35:
0x1e4: {  	s20 =	sand.u32 $0x7800, s19;
	s18 =	sadd.s32 $0x80, s18;
	v6 =	vadd.f32 $5.000000000e-01, v6;
	p0 =	sne.s32 s19, $0x5F00  }
.Ltmp16:
0x1e5: {  	s19 =	sadd.s32 $0x100, s19;
	s21 =	sand.u32 $0x380, s18;
	v5 =	vmul.f32 v5, v3;
	(pc) =	sbr.rel @p0 .LBB2_35-.Ltmp16, $4  }
0x1e6: {  	s20 =	sor.u32 s20, s21;
	v7 =	vsub.f32 v4, v1;
	v6 =	vtrunc.f32 v6  }
0x1e7: {  	v4 =	vld [tilespmem:s20+$0x70];
	v8 =	vcvt.f32.s32 v6;
	v9 =	vadd.f32 v5, v1  }
0x1e8: {  	v6 =	vmul.f32 v7, v2  }
0x1e9: {  	v5 =	vcvt.s32.f32 v8;
	[tilespmem:s15+$0x6070] =	vst v9;
	s15 =	smov.u32 s16;
	s16 =	smov.u32 s17;
	s17 =	smov.u32 s20  }
0x1ea: {  	_ =	sdelay $0x1  }
0x1eb: {  	v4 =	vsub.f32 v4, v1;
	_ =	sdelay $0x1  }
0x1ec: {  	v2 =	vmul.f32 v4, v2  }
0x1ed: {  	v4 =	vadd.f32 $5.000000000e-01, v6  }
0x1ee: {  	v2 =	vadd.f32 $5.000000000e-01, v2  }
0x1ef: {  	v4 =	vtrunc.f32 v4  }
0x1f0: {  	v4 =	vcvt.f32.s32 v4;
	v2 =	vtrunc.f32 v2  }
0x1f1: {  	v2 =	vcvt.f32.s32 v2  }
0x1f2: {  	v4 =	vcvt.s32.f32 v4  }
0x1f3: {  	v5 =	vmul.f32 v5, v3;
	v2 =	vcvt.s32.f32 v2  }
0x1f4: {  	v4 =	vmul.f32 v4, v3  }
0x1f5: {  	v5 =	vadd.f32 v5, v1;
	v2 =	vmul.f32 v2, v3  }
0x1f6: {  	v3 =	vadd.f32 v4, v1  }
0x1f7: {  	[tilespmem:s15+$0x6070] =	vst v5;
	v1 =	vadd.f32 v2, v1  }
0x1f8: {  	[tilespmem:s16+$0x6070] =	vst v3  }
0x1f9: {  	[tilespmem:s17+$0x6070] =	vst v1  }
0x1fa: {  	v1 =	vld [tilespmem:$0x400];
	_ =	sdelay $0x1  }
0x1fb: {  	s30 =	simm.s32 $0x100;
	s15 =	simm.s32 $0x80  }
0x1fc: {  	s31 =	sand.u32 $0x380, s15;
	s16 =	sand.u32 $0x7800, s30  }
0x1fd: {  	s17 =	sor.u32 s31, s16  }
0x1fe: {  	s16 =	simm.s32 $0x200;
	v3 =	vld [tilespmem:s17+$0x400];
	v2 =	vmov v1  }
.LBB2_37:
0x1ff: {  	p0 =	sne.s32 s16, $0x5F00  }
.Ltmp17:
0x200: {  	_ = 	snop;
	(pc) =	sbr.rel @p0 .LBB2_37-.Ltmp17, $4  }
0x201: {  	s15 =	sadd.s32 $0x80, s15  }
0x202: {  	s17 =	sand.u32 $0x7800, s16;
	s18 =	sand.u32 $0x380, s15  }
0x203: {  	s17 =	sor.u32 s18, s17  }
0x204: {  	s16 =	sadd.s32 $0x100, s16;
	v1 =	vmin.f32 v1, v3;
	v2 =	vmax.f32 v2, v3;
	v3 =	vld [tilespmem:s17+$0x400]  }
0x205: {  	_ =	sdelay $0x3  }
0x206: {  	v1 =	vmin.f32 v1, v3;
	v2 =	vmax.f32 v2, v3  }
0x207: {  	v3 =	vld [tilespmem:$0xC080];
	v4 =	vsub.f32 v2, v1;
	_ =	sdelay $0x1  }
0x208: {  	vm0 =	vgt.f32 v4, $9.999999930e-09  }
0x209: {  	v2 =	vnsel vm0, $0x3F800000, v4  }
0x20a: {  	(erf) = vrcp.f32 v2  }
0x20b: {  	vm1 =	vgt.s32 v3, $0x1  }
0x20c: {  	v2 =	vnsel vm1, $0x1, v3  }
0x20d: {  	v2 =	vmin.u32 v2, $0x8  }
0x20e: {  	s15 =	simm.s32 $0x0;
	v2 =	vshll.u32 v0, v2  }
0x20f: {  	s16 =	sand.u32 $0x7800, s15;
	s15 =	sand.u32 $0x380, s15;
	v2 =	vcvt.s32.f32 v2  }
0x210: {  	s15 =	sor.u32 s16, s15  }
0x211: {  	v3 =	vld [tilespmem:s15+$0x400];
	v2 =	vadd.f32 $-1.000000000e+00, v2;
	_ =	sdelay $0x1  }
0x212: {  	v5 =	vpop (erf);
	(erf) = vrcp.f32 v2  }
0x213: {  	s30 =	simm.s32 $0x100;
	s17 =	simm.s32 $0x80  }
0x214: {  	s17 =	sand.u32 $0x380, s17;
	s16 =	sand.u32 $0x7800, s30;
	v2 =	vmul.f32 v2, v5  }
0x215: {  	s16 =	sor.u32 s16, s17;
	v3 =	vsub.f32 v3, v1  }
0x216: {  	v5 =	vld [tilespmem:s16+$0x400];
	v2 =	vnsel vm0, $0x0, v2  }
0x217: {  	v3 =	vmul.f32 v3, v2;
	_ =	sdelay $0x1  }
0x218: {  	s31 =	simm.s32 $0x200;
	s18 =	simm.s32 $0x100;
	v3 =	vadd.f32 $5.000000000e-01, v3  }
0x219: {  	s19 =	sand.u32 $0x380, s18;
	s17 =	sand.u32 $0x7800, s31  }
0x21a: {  	s17 =	sor.u32 s17, s19;
	v5 =	vsub.f32 v5, v1;
	v3 =	vtrunc.f32 v3;
	v6 =	vpop (erf)  }
0x21b: {  	v7 =	vcvt.f32.s32 v3;
	v3 =	vmul.f32 v6, v4;
	v4 =	vld [tilespmem:s17+$0x400]  }
0x21c: {  	v6 =	vmul.f32 v5, v2  }
0x21d: {  	s19 =	simm.s32 $0x300;
	v5 =	vcvt.s32.f32 v7  }
.LBB2_39:
0x21e: {  	s20 =	sand.u32 $0x7800, s19;
	s18 =	sadd.s32 $0x80, s18;
	v6 =	vadd.f32 $5.000000000e-01, v6;
	p0 =	sne.s32 s19, $0x5F00  }
.Ltmp18:
0x21f: {  	s19 =	sadd.s32 $0x100, s19;
	s21 =	sand.u32 $0x380, s18;
	v5 =	vmul.f32 v5, v3;
	(pc) =	sbr.rel @p0 .LBB2_39-.Ltmp18, $4  }
0x220: {  	s20 =	sor.u32 s20, s21;
	v7 =	vsub.f32 v4, v1;
	v6 =	vtrunc.f32 v6  }
0x221: {  	v4 =	vld [tilespmem:s20+$0x400];
	v8 =	vcvt.f32.s32 v6;
	v9 =	vadd.f32 v5, v1  }
0x222: {  	v6 =	vmul.f32 v7, v2  }
0x223: {  	v5 =	vcvt.s32.f32 v8;
	[tilespmem:s15+$0x6400] =	vst v9;
	s15 =	smov.u32 s16;
	s16 =	smov.u32 s17;
	s17 =	smov.u32 s20  }
0x224: {  	_ =	sdelay $0x1  }
0x225: {  	v4 =	vsub.f32 v4, v1;
	_ =	sdelay $0x1  }
0x226: {  	v2 =	vmul.f32 v4, v2  }
0x227: {  	v4 =	vadd.f32 $5.000000000e-01, v6  }
0x228: {  	v2 =	vadd.f32 $5.000000000e-01, v2  }
0x229: {  	v4 =	vtrunc.f32 v4  }
0x22a: {  	v4 =	vcvt.f32.s32 v4;
	v2 =	vtrunc.f32 v2  }
0x22b: {  	v2 =	vcvt.f32.s32 v2  }
0x22c: {  	v4 =	vcvt.s32.f32 v4  }
0x22d: {  	v5 =	vmul.f32 v5, v3;
	v2 =	vcvt.s32.f32 v2  }
0x22e: {  	v4 =	vmul.f32 v4, v3  }
0x22f: {  	v5 =	vadd.f32 v5, v1;
	v2 =	vmul.f32 v2, v3  }
0x230: {  	v3 =	vadd.f32 v4, v1  }
0x231: {  	[tilespmem:s15+$0x6400] =	vst v5;
	v1 =	vadd.f32 v2, v1  }
0x232: {  	[tilespmem:s16+$0x6400] =	vst v3  }
0x233: {  	[tilespmem:s17+$0x6400] =	vst v1  }
0x234: {  	v1 =	vld [tilespmem:$0x410];
	_ =	sdelay $0x1  }
0x235: {  	s30 =	simm.s32 $0x100;
	s15 =	simm.s32 $0x80  }
0x236: {  	s31 =	sand.u32 $0x380, s15;
	s16 =	sand.u32 $0x7800, s30  }
0x237: {  	s17 =	sor.u32 s31, s16  }
0x238: {  	s16 =	simm.s32 $0x200;
	v3 =	vld [tilespmem:s17+$0x410];
	v2 =	vmov v1  }
.LBB2_41:
0x239: {  	p0 =	sne.s32 s16, $0x5F00  }
.Ltmp19:
0x23a: {  	_ = 	snop;
	(pc) =	sbr.rel @p0 .LBB2_41-.Ltmp19, $4  }
0x23b: {  	s15 =	sadd.s32 $0x80, s15  }
0x23c: {  	s17 =	sand.u32 $0x7800, s16;
	s18 =	sand.u32 $0x380, s15  }
0x23d: {  	s17 =	sor.u32 s18, s17  }
0x23e: {  	s16 =	sadd.s32 $0x100, s16;
	v1 =	vmin.f32 v1, v3;
	v2 =	vmax.f32 v2, v3;
	v3 =	vld [tilespmem:s17+$0x410]  }
0x23f: {  	_ =	sdelay $0x3  }
0x240: {  	v1 =	vmin.f32 v1, v3;
	v2 =	vmax.f32 v2, v3  }
0x241: {  	v3 =	vld [tilespmem:$0xC090];
	v4 =	vsub.f32 v2, v1;
	_ =	sdelay $0x1  }
0x242: {  	vm0 =	vgt.f32 v4, $9.999999930e-09  }
0x243: {  	v2 =	vnsel vm0, $0x3F800000, v4  }
0x244: {  	(erf) = vrcp.f32 v2  }
0x245: {  	vm1 =	vgt.s32 v3, $0x1  }
0x246: {  	v2 =	vnsel vm1, $0x1, v3  }
0x247: {  	v2 =	vmin.u32 v2, $0x8  }
0x248: {  	s15 =	simm.s32 $0x0;
	v2 =	vshll.u32 v0, v2  }
0x249: {  	s16 =	sand.u32 $0x7800, s15;
	s15 =	sand.u32 $0x380, s15;
	v2 =	vcvt.s32.f32 v2  }
0x24a: {  	s15 =	sor.u32 s16, s15  }
0x24b: {  	v3 =	vld [tilespmem:s15+$0x410];
	v2 =	vadd.f32 $-1.000000000e+00, v2;
	_ =	sdelay $0x1  }
0x24c: {  	v5 =	vpop (erf);
	(erf) = vrcp.f32 v2  }
0x24d: {  	s30 =	simm.s32 $0x100;
	s17 =	simm.s32 $0x80  }
0x24e: {  	s17 =	sand.u32 $0x380, s17;
	s16 =	sand.u32 $0x7800, s30;
	v2 =	vmul.f32 v2, v5  }
0x24f: {  	s16 =	sor.u32 s16, s17;
	v3 =	vsub.f32 v3, v1  }
0x250: {  	v5 =	vld [tilespmem:s16+$0x410];
	v2 =	vnsel vm0, $0x0, v2  }
0x251: {  	v3 =	vmul.f32 v3, v2;
	_ =	sdelay $0x1  }
0x252: {  	s31 =	simm.s32 $0x200;
	s18 =	simm.s32 $0x100;
	v3 =	vadd.f32 $5.000000000e-01, v3  }
0x253: {  	s19 =	sand.u32 $0x380, s18;
	s17 =	sand.u32 $0x7800, s31  }
0x254: {  	s17 =	sor.u32 s17, s19;
	v5 =	vsub.f32 v5, v1;
	v3 =	vtrunc.f32 v3;
	v6 =	vpop (erf)  }
0x255: {  	v7 =	vcvt.f32.s32 v3;
	v3 =	vmul.f32 v6, v4;
	v4 =	vld [tilespmem:s17+$0x410]  }
0x256: {  	v6 =	vmul.f32 v5, v2  }
0x257: {  	s19 =	simm.s32 $0x300;
	v5 =	vcvt.s32.f32 v7  }
.LBB2_43:
0x258: {  	s20 =	sand.u32 $0x7800, s19;
	s18 =	sadd.s32 $0x80, s18;
	v6 =	vadd.f32 $5.000000000e-01, v6;
	p0 =	sne.s32 s19, $0x5F00  }
.Ltmp20:
0x259: {  	s19 =	sadd.s32 $0x100, s19;
	s21 =	sand.u32 $0x380, s18;
	v5 =	vmul.f32 v5, v3;
	(pc) =	sbr.rel @p0 .LBB2_43-.Ltmp20, $4  }
0x25a: {  	s20 =	sor.u32 s20, s21;
	v7 =	vsub.f32 v4, v1;
	v6 =	vtrunc.f32 v6  }
0x25b: {  	v4 =	vld [tilespmem:s20+$0x410];
	v8 =	vcvt.f32.s32 v6;
	v9 =	vadd.f32 v5, v1  }
0x25c: {  	v6 =	vmul.f32 v7, v2  }
0x25d: {  	v5 =	vcvt.s32.f32 v8;
	[tilespmem:s15+$0x6410] =	vst v9;
	s15 =	smov.u32 s16;
	s16 =	smov.u32 s17;
	s17 =	smov.u32 s20  }
0x25e: {  	_ =	sdelay $0x1  }
0x25f: {  	v4 =	vsub.f32 v4, v1;
	_ =	sdelay $0x1  }
0x260: {  	v2 =	vmul.f32 v4, v2  }
0x261: {  	v4 =	vadd.f32 $5.000000000e-01, v6  }
0x262: {  	v2 =	vadd.f32 $5.000000000e-01, v2  }
0x263: {  	v4 =	vtrunc.f32 v4  }
0x264: {  	v4 =	vcvt.f32.s32 v4;
	v2 =	vtrunc.f32 v2  }
0x265: {  	v2 =	vcvt.f32.s32 v2  }
0x266: {  	v4 =	vcvt.s32.f32 v4  }
0x267: {  	v5 =	vmul.f32 v5, v3;
	v2 =	vcvt.s32.f32 v2  }
0x268: {  	v4 =	vmul.f32 v4, v3  }
0x269: {  	v5 =	vadd.f32 v5, v1;
	v2 =	vmul.f32 v2, v3  }
0x26a: {  	v3 =	vadd.f32 v4, v1  }
0x26b: {  	[tilespmem:s15+$0x6410] =	vst v5;
	v1 =	vadd.f32 v2, v1  }
0x26c: {  	[tilespmem:s16+$0x6410] =	vst v3  }
0x26d: {  	[tilespmem:s17+$0x6410] =	vst v1  }
0x26e: {  	v1 =	vld [tilespmem:$0x420];
	_ =	sdelay $0x1  }
0x26f: {  	s30 =	simm.s32 $0x100;
	s15 =	simm.s32 $0x80  }
0x270: {  	s31 =	sand.u32 $0x380, s15;
	s16 =	sand.u32 $0x7800, s30  }
0x271: {  	s17 =	sor.u32 s31, s16  }
0x272: {  	s16 =	simm.s32 $0x200;
	v3 =	vld [tilespmem:s17+$0x420];
	v2 =	vmov v1  }
.LBB2_45:
0x273: {  	p0 =	sne.s32 s16, $0x5F00  }
.Ltmp21:
0x274: {  	_ = 	snop;
	(pc) =	sbr.rel @p0 .LBB2_45-.Ltmp21, $4  }
0x275: {  	s15 =	sadd.s32 $0x80, s15  }
0x276: {  	s17 =	sand.u32 $0x7800, s16;
	s18 =	sand.u32 $0x380, s15  }
0x277: {  	s17 =	sor.u32 s18, s17  }
0x278: {  	s16 =	sadd.s32 $0x100, s16;
	v1 =	vmin.f32 v1, v3;
	v2 =	vmax.f32 v2, v3;
	v3 =	vld [tilespmem:s17+$0x420]  }
0x279: {  	_ =	sdelay $0x3  }
0x27a: {  	v1 =	vmin.f32 v1, v3;
	v2 =	vmax.f32 v2, v3  }
0x27b: {  	v3 =	vld [tilespmem:$0xC0A0];
	v4 =	vsub.f32 v2, v1;
	_ =	sdelay $0x1  }
0x27c: {  	vm0 =	vgt.f32 v4, $9.999999930e-09  }
0x27d: {  	v2 =	vnsel vm0, $0x3F800000, v4  }
0x27e: {  	(erf) = vrcp.f32 v2  }
0x27f: {  	vm1 =	vgt.s32 v3, $0x1  }
0x280: {  	v2 =	vnsel vm1, $0x1, v3  }
0x281: {  	v2 =	vmin.u32 v2, $0x8  }
0x282: {  	s15 =	simm.s32 $0x0;
	v2 =	vshll.u32 v0, v2  }
0x283: {  	s16 =	sand.u32 $0x7800, s15;
	s15 =	sand.u32 $0x380, s15;
	v2 =	vcvt.s32.f32 v2  }
0x284: {  	s15 =	sor.u32 s16, s15  }
0x285: {  	v3 =	vld [tilespmem:s15+$0x420];
	v2 =	vadd.f32 $-1.000000000e+00, v2;
	_ =	sdelay $0x1  }
0x286: {  	v5 =	vpop (erf);
	(erf) = vrcp.f32 v2  }
0x287: {  	s30 =	simm.s32 $0x100;
	s17 =	simm.s32 $0x80  }
0x288: {  	s17 =	sand.u32 $0x380, s17;
	s16 =	sand.u32 $0x7800, s30;
	v2 =	vmul.f32 v2, v5  }
0x289: {  	s16 =	sor.u32 s16, s17;
	v3 =	vsub.f32 v3, v1  }
0x28a: {  	v5 =	vld [tilespmem:s16+$0x420];
	v2 =	vnsel vm0, $0x0, v2  }
0x28b: {  	v3 =	vmul.f32 v3, v2;
	_ =	sdelay $0x1  }
0x28c: {  	s31 =	simm.s32 $0x200;
	s18 =	simm.s32 $0x100;
	v3 =	vadd.f32 $5.000000000e-01, v3  }
0x28d: {  	s19 =	sand.u32 $0x380, s18;
	s17 =	sand.u32 $0x7800, s31  }
0x28e: {  	s17 =	sor.u32 s17, s19;
	v5 =	vsub.f32 v5, v1;
	v3 =	vtrunc.f32 v3;
	v6 =	vpop (erf)  }
0x28f: {  	v7 =	vcvt.f32.s32 v3;
	v3 =	vmul.f32 v6, v4;
	v4 =	vld [tilespmem:s17+$0x420]  }
0x290: {  	v6 =	vmul.f32 v5, v2  }
0x291: {  	s19 =	simm.s32 $0x300;
	v5 =	vcvt.s32.f32 v7  }
.LBB2_47:
0x292: {  	s20 =	sand.u32 $0x7800, s19;
	s18 =	sadd.s32 $0x80, s18;
	v6 =	vadd.f32 $5.000000000e-01, v6;
	p0 =	sne.s32 s19, $0x5F00  }
.Ltmp22:
0x293: {  	s19 =	sadd.s32 $0x100, s19;
	s21 =	sand.u32 $0x380, s18;
	v5 =	vmul.f32 v5, v3;
	(pc) =	sbr.rel @p0 .LBB2_47-.Ltmp22, $4  }
0x294: {  	s20 =	sor.u32 s20, s21;
	v7 =	vsub.f32 v4, v1;
	v6 =	vtrunc.f32 v6  }
0x295: {  	v4 =	vld [tilespmem:s20+$0x420];
	v8 =	vcvt.f32.s32 v6;
	v9 =	vadd.f32 v5, v1  }
0x296: {  	v6 =	vmul.f32 v7, v2  }
0x297: {  	v5 =	vcvt.s32.f32 v8;
	[tilespmem:s15+$0x6420] =	vst v9;
	s15 =	smov.u32 s16;
	s16 =	smov.u32 s17;
	s17 =	smov.u32 s20  }
0x298: {  	_ =	sdelay $0x1  }
0x299: {  	v4 =	vsub.f32 v4, v1;
	_ =	sdelay $0x1  }
0x29a: {  	v2 =	vmul.f32 v4, v2  }
0x29b: {  	v4 =	vadd.f32 $5.000000000e-01, v6  }
0x29c: {  	v2 =	vadd.f32 $5.000000000e-01, v2  }
0x29d: {  	v4 =	vtrunc.f32 v4  }
0x29e: {  	v4 =	vcvt.f32.s32 v4;
	v2 =	vtrunc.f32 v2  }
0x29f: {  	v2 =	vcvt.f32.s32 v2  }
0x2a0: {  	v4 =	vcvt.s32.f32 v4  }
0x2a1: {  	v5 =	vmul.f32 v5, v3;
	v2 =	vcvt.s32.f32 v2  }
0x2a2: {  	v4 =	vmul.f32 v4, v3  }
0x2a3: {  	v5 =	vadd.f32 v5, v1;
	v2 =	vmul.f32 v2, v3  }
0x2a4: {  	v3 =	vadd.f32 v4, v1  }
0x2a5: {  	[tilespmem:s15+$0x6420] =	vst v5;
	v1 =	vadd.f32 v2, v1  }
0x2a6: {  	[tilespmem:s16+$0x6420] =	vst v3  }
0x2a7: {  	[tilespmem:s17+$0x6420] =	vst v1  }
0x2a8: {  	v1 =	vld [tilespmem:$0x430];
	_ =	sdelay $0x1  }
0x2a9: {  	s30 =	simm.s32 $0x100;
	s15 =	simm.s32 $0x80  }
0x2aa: {  	s31 =	sand.u32 $0x380, s15;
	s16 =	sand.u32 $0x7800, s30  }
0x2ab: {  	s17 =	sor.u32 s31, s16  }
0x2ac: {  	s16 =	simm.s32 $0x200;
	v3 =	vld [tilespmem:s17+$0x430];
	v2 =	vmov v1  }
.LBB2_49:
0x2ad: {  	p0 =	sne.s32 s16, $0x5F00  }
.Ltmp23:
0x2ae: {  	_ = 	snop;
	(pc) =	sbr.rel @p0 .LBB2_49-.Ltmp23, $4  }
0x2af: {  	s15 =	sadd.s32 $0x80, s15  }
0x2b0: {  	s17 =	sand.u32 $0x7800, s16;
	s18 =	sand.u32 $0x380, s15  }
0x2b1: {  	s17 =	sor.u32 s18, s17  }
0x2b2: {  	s16 =	sadd.s32 $0x100, s16;
	v1 =	vmin.f32 v1, v3;
	v2 =	vmax.f32 v2, v3;
	v3 =	vld [tilespmem:s17+$0x430]  }
0x2b3: {  	_ =	sdelay $0x3  }
0x2b4: {  	v1 =	vmin.f32 v1, v3;
	v2 =	vmax.f32 v2, v3  }
0x2b5: {  	v3 =	vld [tilespmem:$0xC0B0];
	v4 =	vsub.f32 v2, v1;
	_ =	sdelay $0x1  }
0x2b6: {  	vm0 =	vgt.f32 v4, $9.999999930e-09  }
0x2b7: {  	v2 =	vnsel vm0, $0x3F800000, v4  }
0x2b8: {  	(erf) = vrcp.f32 v2  }
0x2b9: {  	vm1 =	vgt.s32 v3, $0x1  }
0x2ba: {  	v2 =	vnsel vm1, $0x1, v3  }
0x2bb: {  	v2 =	vmin.u32 v2, $0x8  }
0x2bc: {  	s15 =	simm.s32 $0x0;
	v2 =	vshll.u32 v0, v2  }
0x2bd: {  	s16 =	sand.u32 $0x7800, s15;
	s15 =	sand.u32 $0x380, s15;
	v2 =	vcvt.s32.f32 v2  }
0x2be: {  	s15 =	sor.u32 s16, s15  }
0x2bf: {  	v3 =	vld [tilespmem:s15+$0x430];
	v2 =	vadd.f32 $-1.000000000e+00, v2;
	_ =	sdelay $0x1  }
0x2c0: {  	v5 =	vpop (erf);
	(erf) = vrcp.f32 v2  }
0x2c1: {  	s30 =	simm.s32 $0x100;
	s17 =	simm.s32 $0x80  }
0x2c2: {  	s17 =	sand.u32 $0x380, s17;
	s16 =	sand.u32 $0x7800, s30;
	v2 =	vmul.f32 v2, v5  }
0x2c3: {  	s16 =	sor.u32 s16, s17;
	v3 =	vsub.f32 v3, v1  }
0x2c4: {  	v5 =	vld [tilespmem:s16+$0x430];
	v2 =	vnsel vm0, $0x0, v2  }
0x2c5: {  	v3 =	vmul.f32 v3, v2;
	_ =	sdelay $0x1  }
0x2c6: {  	s31 =	simm.s32 $0x200;
	s18 =	simm.s32 $0x100;
	v3 =	vadd.f32 $5.000000000e-01, v3  }
0x2c7: {  	s19 =	sand.u32 $0x380, s18;
	s17 =	sand.u32 $0x7800, s31  }
0x2c8: {  	s17 =	sor.u32 s17, s19;
	v5 =	vsub.f32 v5, v1;
	v3 =	vtrunc.f32 v3;
	v6 =	vpop (erf)  }
0x2c9: {  	v7 =	vcvt.f32.s32 v3;
	v3 =	vmul.f32 v6, v4;
	v4 =	vld [tilespmem:s17+$0x430]  }
0x2ca: {  	v6 =	vmul.f32 v5, v2  }
0x2cb: {  	s19 =	simm.s32 $0x300;
	v5 =	vcvt.s32.f32 v7  }
.LBB2_51:
0x2cc: {  	s20 =	sand.u32 $0x7800, s19;
	s18 =	sadd.s32 $0x80, s18;
	v6 =	vadd.f32 $5.000000000e-01, v6;
	p0 =	sne.s32 s19, $0x5F00  }
.Ltmp24:
0x2cd: {  	s19 =	sadd.s32 $0x100, s19;
	s21 =	sand.u32 $0x380, s18;
	v5 =	vmul.f32 v5, v3;
	(pc) =	sbr.rel @p0 .LBB2_51-.Ltmp24, $4  }
0x2ce: {  	s20 =	sor.u32 s20, s21;
	v7 =	vsub.f32 v4, v1;
	v6 =	vtrunc.f32 v6  }
0x2cf: {  	v4 =	vld [tilespmem:s20+$0x430];
	v8 =	vcvt.f32.s32 v6;
	v9 =	vadd.f32 v5, v1  }
0x2d0: {  	v6 =	vmul.f32 v7, v2  }
0x2d1: {  	v5 =	vcvt.s32.f32 v8;
	[tilespmem:s15+$0x6430] =	vst v9;
	s15 =	smov.u32 s16;
	s16 =	smov.u32 s17;
	s17 =	smov.u32 s20  }
0x2d2: {  	_ =	sdelay $0x1  }
0x2d3: {  	v4 =	vsub.f32 v4, v1;
	_ =	sdelay $0x1  }
0x2d4: {  	v2 =	vmul.f32 v4, v2  }
0x2d5: {  	v4 =	vadd.f32 $5.000000000e-01, v6  }
0x2d6: {  	v2 =	vadd.f32 $5.000000000e-01, v2  }
0x2d7: {  	v4 =	vtrunc.f32 v4  }
0x2d8: {  	v4 =	vcvt.f32.s32 v4;
	v2 =	vtrunc.f32 v2  }
0x2d9: {  	v2 =	vcvt.f32.s32 v2  }
0x2da: {  	v4 =	vcvt.s32.f32 v4  }
0x2db: {  	v5 =	vmul.f32 v5, v3;
	v2 =	vcvt.s32.f32 v2  }
0x2dc: {  	v4 =	vmul.f32 v4, v3  }
0x2dd: {  	v5 =	vadd.f32 v5, v1;
	v2 =	vmul.f32 v2, v3  }
0x2de: {  	v3 =	vadd.f32 v4, v1  }
0x2df: {  	[tilespmem:s15+$0x6430] =	vst v5;
	v1 =	vadd.f32 v2, v1  }
0x2e0: {  	[tilespmem:s16+$0x6430] =	vst v3  }
0x2e1: {  	[tilespmem:s17+$0x6430] =	vst v1  }
0x2e2: {  	v1 =	vld [tilespmem:$0x440];
	_ =	sdelay $0x1  }
0x2e3: {  	s30 =	simm.s32 $0x100;
	s15 =	simm.s32 $0x80  }
0x2e4: {  	s31 =	sand.u32 $0x380, s15;
	s16 =	sand.u32 $0x7800, s30  }
0x2e5: {  	s17 =	sor.u32 s31, s16  }
0x2e6: {  	s16 =	simm.s32 $0x200;
	v3 =	vld [tilespmem:s17+$0x440];
	v2 =	vmov v1  }
.LBB2_53:
0x2e7: {  	p0 =	sne.s32 s16, $0x5F00  }
.Ltmp25:
0x2e8: {  	_ = 	snop;
	(pc) =	sbr.rel @p0 .LBB2_53-.Ltmp25, $4  }
0x2e9: {  	s15 =	sadd.s32 $0x80, s15  }
0x2ea: {  	s17 =	sand.u32 $0x7800, s16;
	s18 =	sand.u32 $0x380, s15  }
0x2eb: {  	s17 =	sor.u32 s18, s17  }
0x2ec: {  	s16 =	sadd.s32 $0x100, s16;
	v1 =	vmin.f32 v1, v3;
	v2 =	vmax.f32 v2, v3;
	v3 =	vld [tilespmem:s17+$0x440]  }
0x2ed: {  	_ =	sdelay $0x3  }
0x2ee: {  	v1 =	vmin.f32 v1, v3;
	v2 =	vmax.f32 v2, v3  }
0x2ef: {  	v3 =	vld [tilespmem:$0xC0C0];
	v4 =	vsub.f32 v2, v1;
	_ =	sdelay $0x1  }
0x2f0: {  	vm0 =	vgt.f32 v4, $9.999999930e-09  }
0x2f1: {  	v2 =	vnsel vm0, $0x3F800000, v4  }
0x2f2: {  	(erf) = vrcp.f32 v2  }
0x2f3: {  	vm1 =	vgt.s32 v3, $0x1  }
0x2f4: {  	v2 =	vnsel vm1, $0x1, v3  }
0x2f5: {  	v2 =	vmin.u32 v2, $0x8  }
0x2f6: {  	s15 =	simm.s32 $0x0;
	v2 =	vshll.u32 v0, v2  }
0x2f7: {  	s16 =	sand.u32 $0x7800, s15;
	s15 =	sand.u32 $0x380, s15;
	v2 =	vcvt.s32.f32 v2  }
0x2f8: {  	s15 =	sor.u32 s16, s15  }
0x2f9: {  	v3 =	vld [tilespmem:s15+$0x440];
	v2 =	vadd.f32 $-1.000000000e+00, v2;
	_ =	sdelay $0x1  }
0x2fa: {  	v5 =	vpop (erf);
	(erf) = vrcp.f32 v2  }
0x2fb: {  	s30 =	simm.s32 $0x100;
	s17 =	simm.s32 $0x80  }
0x2fc: {  	s17 =	sand.u32 $0x380, s17;
	s16 =	sand.u32 $0x7800, s30;
	v2 =	vmul.f32 v2, v5  }
0x2fd: {  	s16 =	sor.u32 s16, s17;
	v3 =	vsub.f32 v3, v1  }
0x2fe: {  	v5 =	vld [tilespmem:s16+$0x440];
	v2 =	vnsel vm0, $0x0, v2  }
0x2ff: {  	v3 =	vmul.f32 v3, v2;
	_ =	sdelay $0x1  }
0x300: {  	s31 =	simm.s32 $0x200;
	s18 =	simm.s32 $0x100;
	v3 =	vadd.f32 $5.000000000e-01, v3  }
0x301: {  	s19 =	sand.u32 $0x380, s18;
	s17 =	sand.u32 $0x7800, s31  }
0x302: {  	s17 =	sor.u32 s17, s19;
	v5 =	vsub.f32 v5, v1;
	v3 =	vtrunc.f32 v3;
	v6 =	vpop (erf)  }
0x303: {  	v7 =	vcvt.f32.s32 v3;
	v3 =	vmul.f32 v6, v4;
	v4 =	vld [tilespmem:s17+$0x440]  }
0x304: {  	v6 =	vmul.f32 v5, v2  }
0x305: {  	s19 =	simm.s32 $0x300;
	v5 =	vcvt.s32.f32 v7  }
.LBB2_55:
0x306: {  	s20 =	sand.u32 $0x7800, s19;
	s18 =	sadd.s32 $0x80, s18;
	v6 =	vadd.f32 $5.000000000e-01, v6;
	p0 =	sne.s32 s19, $0x5F00  }
.Ltmp26:
0x307: {  	s19 =	sadd.s32 $0x100, s19;
	s21 =	sand.u32 $0x380, s18;
	v5 =	vmul.f32 v5, v3;
	(pc) =	sbr.rel @p0 .LBB2_55-.Ltmp26, $4  }
0x308: {  	s20 =	sor.u32 s20, s21;
	v7 =	vsub.f32 v4, v1;
	v6 =	vtrunc.f32 v6  }
0x309: {  	v4 =	vld [tilespmem:s20+$0x440];
	v8 =	vcvt.f32.s32 v6;
	v9 =	vadd.f32 v5, v1  }
0x30a: {  	v6 =	vmul.f32 v7, v2  }
0x30b: {  	v5 =	vcvt.s32.f32 v8;
	[tilespmem:s15+$0x6440] =	vst v9;
	s15 =	smov.u32 s16;
	s16 =	smov.u32 s17;
	s17 =	smov.u32 s20  }
0x30c: {  	_ =	sdelay $0x1  }
0x30d: {  	v4 =	vsub.f32 v4, v1;
	_ =	sdelay $0x1  }
0x30e: {  	v2 =	vmul.f32 v4, v2  }
0x30f: {  	v4 =	vadd.f32 $5.000000000e-01, v6  }
0x310: {  	v2 =	vadd.f32 $5.000000000e-01, v2  }
0x311: {  	v4 =	vtrunc.f32 v4  }
0x312: {  	v4 =	vcvt.f32.s32 v4;
	v2 =	vtrunc.f32 v2  }
0x313: {  	v2 =	vcvt.f32.s32 v2  }
0x314: {  	v4 =	vcvt.s32.f32 v4  }
0x315: {  	v5 =	vmul.f32 v5, v3;
	v2 =	vcvt.s32.f32 v2  }
0x316: {  	v4 =	vmul.f32 v4, v3  }
0x317: {  	v5 =	vadd.f32 v5, v1;
	v2 =	vmul.f32 v2, v3  }
0x318: {  	v3 =	vadd.f32 v4, v1  }
0x319: {  	[tilespmem:s15+$0x6440] =	vst v5;
	v1 =	vadd.f32 v2, v1  }
0x31a: {  	[tilespmem:s16+$0x6440] =	vst v3  }
0x31b: {  	[tilespmem:s17+$0x6440] =	vst v1  }
0x31c: {  	v1 =	vld [tilespmem:$0x450];
	_ =	sdelay $0x1  }
0x31d: {  	s30 =	simm.s32 $0x100;
	s15 =	simm.s32 $0x80  }
0x31e: {  	s31 =	sand.u32 $0x380, s15;
	s16 =	sand.u32 $0x7800, s30  }
0x31f: {  	s17 =	sor.u32 s31, s16  }
0x320: {  	s16 =	simm.s32 $0x200;
	v3 =	vld [tilespmem:s17+$0x450];
	v2 =	vmov v1  }
.LBB2_57:
0x321: {  	p0 =	sne.s32 s16, $0x5F00  }
.Ltmp27:
0x322: {  	_ = 	snop;
	(pc) =	sbr.rel @p0 .LBB2_57-.Ltmp27, $4  }
0x323: {  	s15 =	sadd.s32 $0x80, s15  }
0x324: {  	s17 =	sand.u32 $0x7800, s16;
	s18 =	sand.u32 $0x380, s15  }
0x325: {  	s17 =	sor.u32 s18, s17  }
0x326: {  	s16 =	sadd.s32 $0x100, s16;
	v1 =	vmin.f32 v1, v3;
	v2 =	vmax.f32 v2, v3;
	v3 =	vld [tilespmem:s17+$0x450]  }
0x327: {  	_ =	sdelay $0x3  }
0x328: {  	v1 =	vmin.f32 v1, v3;
	v2 =	vmax.f32 v2, v3  }
0x329: {  	v3 =	vld [tilespmem:$0xC0D0];
	v4 =	vsub.f32 v2, v1;
	_ =	sdelay $0x1  }
0x32a: {  	vm0 =	vgt.f32 v4, $9.999999930e-09  }
0x32b: {  	v2 =	vnsel vm0, $0x3F800000, v4  }
0x32c: {  	(erf) = vrcp.f32 v2  }
0x32d: {  	vm1 =	vgt.s32 v3, $0x1  }
0x32e: {  	v2 =	vnsel vm1, $0x1, v3  }
0x32f: {  	v2 =	vmin.u32 v2, $0x8  }
0x330: {  	s15 =	simm.s32 $0x0;
	v2 =	vshll.u32 v0, v2  }
0x331: {  	s16 =	sand.u32 $0x7800, s15;
	s15 =	sand.u32 $0x380, s15;
	v2 =	vcvt.s32.f32 v2  }
0x332: {  	s15 =	sor.u32 s16, s15  }
0x333: {  	v3 =	vld [tilespmem:s15+$0x450];
	v2 =	vadd.f32 $-1.000000000e+00, v2;
	_ =	sdelay $0x1  }
0x334: {  	v5 =	vpop (erf);
	(erf) = vrcp.f32 v2  }
0x335: {  	s30 =	simm.s32 $0x100;
	s17 =	simm.s32 $0x80  }
0x336: {  	s17 =	sand.u32 $0x380, s17;
	s16 =	sand.u32 $0x7800, s30;
	v2 =	vmul.f32 v2, v5  }
0x337: {  	s16 =	sor.u32 s16, s17;
	v3 =	vsub.f32 v3, v1  }
0x338: {  	v5 =	vld [tilespmem:s16+$0x450];
	v2 =	vnsel vm0, $0x0, v2  }
0x339: {  	v3 =	vmul.f32 v3, v2;
	_ =	sdelay $0x1  }
0x33a: {  	s31 =	simm.s32 $0x200;
	s18 =	simm.s32 $0x100;
	v3 =	vadd.f32 $5.000000000e-01, v3  }
0x33b: {  	s19 =	sand.u32 $0x380, s18;
	s17 =	sand.u32 $0x7800, s31  }
0x33c: {  	s17 =	sor.u32 s17, s19;
	v5 =	vsub.f32 v5, v1;
	v3 =	vtrunc.f32 v3;
	v6 =	vpop (erf)  }
0x33d: {  	v7 =	vcvt.f32.s32 v3;
	v3 =	vmul.f32 v6, v4;
	v4 =	vld [tilespmem:s17+$0x450]  }
0x33e: {  	v6 =	vmul.f32 v5, v2  }
0x33f: {  	s19 =	simm.s32 $0x300;
	v5 =	vcvt.s32.f32 v7  }
.LBB2_59:
0x340: {  	s20 =	sand.u32 $0x7800, s19;
	s18 =	sadd.s32 $0x80, s18;
	v6 =	vadd.f32 $5.000000000e-01, v6;
	p0 =	sne.s32 s19, $0x5F00  }
.Ltmp28:
0x341: {  	s19 =	sadd.s32 $0x100, s19;
	s21 =	sand.u32 $0x380, s18;
	v5 =	vmul.f32 v5, v3;
	(pc) =	sbr.rel @p0 .LBB2_59-.Ltmp28, $4  }
0x342: {  	s20 =	sor.u32 s20, s21;
	v7 =	vsub.f32 v4, v1;
	v6 =	vtrunc.f32 v6  }
0x343: {  	v4 =	vld [tilespmem:s20+$0x450];
	v8 =	vcvt.f32.s32 v6;
	v9 =	vadd.f32 v5, v1  }
0x344: {  	v6 =	vmul.f32 v7, v2  }
0x345: {  	v5 =	vcvt.s32.f32 v8;
	[tilespmem:s15+$0x6450] =	vst v9;
	s15 =	smov.u32 s16;
	s16 =	smov.u32 s17;
	s17 =	smov.u32 s20  }
0x346: {  	_ =	sdelay $0x1  }
0x347: {  	v4 =	vsub.f32 v4, v1;
	_ =	sdelay $0x1  }
0x348: {  	v2 =	vmul.f32 v4, v2  }
0x349: {  	v63 =	vadd.f32 $5.000000000e-01, v6  }
0x34a: {  	v2 =	vadd.f32 $5.000000000e-01, v2  }
0x34b: {  	v4 =	vtrunc.f32 v63  }
0x34c: {  	v4 =	vcvt.f32.s32 v4;
	v2 =	vtrunc.f32 v2  }
0x34d: {  	v2 =	vcvt.f32.s32 v2  }
0x34e: {  	v4 =	vcvt.s32.f32 v4  }
0x34f: {  	v5 =	vmul.f32 v5, v3;
	v2 =	vcvt.s32.f32 v2  }
0x350: {  	v4 =	vmul.f32 v4, v3  }
0x351: {  	v5 =	vadd.f32 v5, v1;
	v2 =	vmul.f32 v2, v3  }
0x352: {  	s14 =	sadd.s32 s4, s14;
	v3 =	vadd.f32 v4, v1  }
0x353: {  	s31 =	sadd.s32 $0x0, s14;
	[tilespmem:s15+$0x6450] =	vst v5;
	v1 =	vadd.f32 v2, v1  }
0x354: {  	s30 =	simm.s32 $0x6000;
	s18 =	sadd.s32 $0x80, s31;
	[tilespmem:s16+$0x6450] =	vst v3  }
0x355: {  	s15 =	simm.s32 $0xE000;
	s16 =	simm.s32 $0x6800;
	[tilespmem:s17+$0x6450] =	vst v1;
	s17 =	simm.s32 $0x6400  }
0x356: {  	[hbm4b:s31+s8] =	stream.strided.scatter [tilespmem:s30], [sflag:$0x1], $0x400, s9, s8, $0x38;
	[tilespmem:$0xC100] =	vst v63  }
.LBB2_61:
0x357: {  	[hbm4b:s18+s8] =	stream.strided.scatter [tilespmem:s17], [sflag:$0x1], $0x400, s9, s8, $0x38;
	[tilespmem:$0xC100] =	vst v63  }
0x358: {  	s17 =	smov.u32 s15;
	p0 =	sne.s32 s15, $0x9A000  }
.Ltmp29:
0x359: {  	s15 =	sadd.s32 $0xE000, s15;
	(pc) =	sbr.rel @p0 .LBB2_61-.Ltmp29, $4  }
0x35a: {  	_ = 	snop  }
0x35b: {  	s18 =	sadd.s32 s17, s14  }
0x35c: {  	[hbm4b:s18+s8] =	stream.strided.scatter [tilespmem:s16], [sflag:$0x1], $0x400, s9, s8, $0x38;
	[tilespmem:$0xC100] =	vst v63  }
0x35d: {  	s17 =	sadd.s32 $0x400, s16;
	s18 =	sadd.s32 $0x80, s18;
	s16 =	sadd.s32 $0x800, s16  }
0x35e: {  	s13 =	sadd.s32 $0x1, s13  }
0x35f: {  	p0 =	sne.s32 s13, $0x38  }
.Ltmp30:
0x360: {  	_ = 	snop;
	(pc) =	sbr.rel @p0 .LBB2_2-.Ltmp30, $4  }
0x361: {  	[hbm4b:s18+s8] =	stream.strided.scatter [tilespmem:s17], [sflag:$0x1], $0x400, s9, s8, $0x38;
	[tilespmem:$0xC100] =	vst v63  }
0x362: {  	_ =	swait.ge [sflag:s10], $0x6000  }
0x363: {  	[sflag:s10] =	ssyncset.done $0x0  }
0x364: {  	[sflag:s10] =	ssyncadd.s32 $0xFFFFA000  }
0x365: {  	s5 =	sadd.s32 $0x1, s5  }
0x366: {  	p0 =	sne.s32 s5, s7  }
.Ltmp31:
0x367: {  	_ = 	snop;
	(pc) =	sbr.rel @p0 .LBB2_1-.Ltmp31, $1  }
0x368: {  	_ =	sdelay $0x3  }
0x369: {  	_ =	sfence.sel $0x180000  }
0x36a: {  	[bflag:$0x0] =	sbarrier.arrive $0xFFFF  }
0x36b: {  	p0 =	sne.s32 s2, $0x0;
	_ =	strace $0x90000047  }
0x36c: {  	s0 =	sadd.s32 @!p0 $0x100000, s0;
	[bflag:$0x2] =	sbarrier.arrive $0xFFFF  }
0x36d: {  	[sflag:s0] =	ssyncadd.tile.s32 @!p0 $0x1;
	_ =	shalt  }
.Lfunc_end2:
_tile_overlayer_lowered:
.L_overlay_start_2:
0x36e: {  	(tag) =	ssettag $0x2  }
0x36f: {  	s0 =	rddreg [dreg:$0x0];
	s2 =	stileid.u32  }
0x370: {  	s1 =	rddreg [dreg:$0x1];
	p0 =	sne.s32 s2, $0x0  }
0x371: {  	s3 =	rddreg [dreg:$0x2];
	[bflag:$0x3] =	sbarrier.arrive $0xFFFF;
	s2 =	simm.s32 @!p0 $0x1C01  }
0x372: {  	[timem:s3], [sflag:s2] =	dma.local @!p0 [hbm:s0], s1  }
0x373: {  	s0 =	simm.s32 @!p0 $0x1  }
0x374: {  	_ =	swait.ge @!p0 [sflag:s0], s1  }
0x375: {  	s1 =	ssub.s32 @!p0 $0x0, s1;
	[sflag:s0] =	ssyncset.done @!p0 $0x0  }
0x376: {  	[sflag:s0] =	ssyncadd.s32 @!p0 s1  }
0x377: {  	[bflag:$0x3] =	sbarrier.arrive $0xFFFF  }
0x378: {  	_ =	shalt  }

</sc_bundles>
